<compile_context>
chip_gen: v7x
topology: tpu7x:2x2x1
jax: 0.10.2.dev20260603
libtpu: 0.0.44.dev20260713+nightly
codegen_flags: <defaults>
</compile_context>

<pallas_src>
import functools

import jax
import jax.numpy as jnp
from jax import lax
from jax.experimental import pallas as pl
from jax.experimental.pallas import tpu as pltpu
from jax.experimental.pallas import tpu_sc as plsc

N = 10000
E = 320000
D = 128
B = 64

NC = 2
NS = 16
NW = NC * NS
CHUNK = 128

NPAD = 10240
ROWS_PER_TILE = NPAD // NS
NGPAD = 10016

EPW_CHUNKS = 80
EPW = EPW_CHUNKS * CHUNK
EPAD = EPW * NW

_MESH = plsc.VectorSubcoreMesh(core_axis_name="c", subcore_axis_name="s", num_cores=NC, num_subcores=NS)


def _zero_rows(buf, nrows, ncols16):
    z = jnp.zeros((16,), jnp.float32)

    @pl.loop(0, nrows)
    def _(i):
        for j in range(ncols16):
            buf[i, pl.ds(16 * j, 16)] = z


@functools.partial(
    pl.kernel,
    out_type=jax.ShapeDtypeStruct((NC, NPAD, 16), jnp.float32),
    mesh=_MESH,
    scratch_types=[
        pltpu.VMEM((CHUNK,), jnp.int32),
        pltpu.VMEM((CHUNK,), jnp.int32),
        pltpu.VMEM((CHUNK, 16), jnp.float32),
        pltpu.VMEM((CHUNK, 16), jnp.float32),
        pltpu.VMEM_SHARED((NPAD, 16), jnp.float32),
    ],
)
def _deg_kernel(dst_hbm, out_hbm, didx0, didx1, ones_v, zero_v, acc_sh):
    cid = lax.axis_index("c")
    sid = lax.axis_index("s")
    wid = sid * NC + cid

    lane = lax.iota(jnp.int32, 16)
    e0 = jnp.where(lane == 0, 1.0, 0.0).astype(jnp.float32)

    @pl.loop(0, CHUNK)
    def _(i):
        ones_v[i, :] = e0

    _zero_rows(zero_v, CHUNK, 1)
    base = sid * ROWS_PER_TILE
    for k in range(ROWS_PER_TILE // CHUNK):
        pltpu.sync_copy(zero_v, acc_sh.at[pl.ds(base + k * CHUNK, CHUNK)])
    plsc.subcore_barrier()

    pltpu.sync_copy(dst_hbm.at[pl.ds(wid * EPW, CHUNK)], didx0)

    @pl.loop(0, EPW_CHUNKS, step=2)
    def _(j):
        off = wid * EPW + j * CHUNK

        @pl.when(j + 1 < EPW_CHUNKS)
        def _():
            pltpu.sync_copy(dst_hbm.at[pl.ds(off + CHUNK, CHUNK)], didx1)

        pltpu.sync_copy(ones_v, acc_sh.at[didx0], add=True)

        @pl.when(j + 2 < EPW_CHUNKS)
        def _():
            pltpu.sync_copy(dst_hbm.at[pl.ds(off + 2 * CHUNK, CHUNK)], didx0)

        @pl.when(j + 1 < EPW_CHUNKS)
        def _():
            pltpu.sync_copy(ones_v, acc_sh.at[didx1], add=True)

    plsc.subcore_barrier()
    for k in range(ROWS_PER_TILE // CHUNK):
        r = base + k * CHUNK
        pltpu.sync_copy(acc_sh.at[pl.ds(r, CHUNK)], zero_v)
        pltpu.sync_copy(zero_v, out_hbm.at[cid, pl.ds(r, CHUNK)])


@functools.partial(
    pl.kernel,
    out_type=jax.ShapeDtypeStruct((NC, NPAD, D), jnp.float32),
    mesh=_MESH,
    scratch_types=[
        pltpu.VMEM((EPW_CHUNKS, CHUNK), jnp.int32),
        pltpu.VMEM((CHUNK,), jnp.int32),
        pltpu.VMEM((CHUNK,), jnp.int32),
        pltpu.VMEM((CHUNK, D), jnp.float32),
        pltpu.VMEM((CHUNK, D), jnp.float32),
        pltpu.VMEM_SHARED((NPAD, D), jnp.float32),
        pltpu.SemaphoreType.DMA,
        pltpu.SemaphoreType.DMA,
    ],
)
def _scatter_call(src3_hbm, dst_hbm, g_hbm, out_hbm,
                  sidx, didx0, didx1, rows0, rows1, acc_sh, sem0, sem1):
    cid = lax.axis_index("c")
    sid = lax.axis_index("s")
    wid = sid * NC + cid

    pltpu.sync_copy(src3_hbm.at[wid], sidx)

    _zero_rows(rows0, CHUNK, D // 16)
    base = sid * ROWS_PER_TILE
    for k in range(ROWS_PER_TILE // CHUNK):
        pltpu.sync_copy(rows0, acc_sh.at[pl.ds(base + k * CHUNK, CHUNK)])
    plsc.subcore_barrier()

    pltpu.async_copy(g_hbm.at[sidx.at[0]], rows0, sem0)
    pltpu.async_copy(g_hbm.at[sidx.at[1]], rows1, sem1)
    pltpu.sync_copy(dst_hbm.at[pl.ds(wid * EPW, CHUNK)], didx0)

    @pl.loop(0, EPW_CHUNKS, step=2)
    def _(j):
        off = wid * EPW + j * CHUNK
        pltpu.sync_copy(dst_hbm.at[pl.ds(off + CHUNK, CHUNK)], didx1)
        pltpu.make_async_copy(g_hbm.at[sidx.at[j]], rows0, sem0).wait()
        pltpu.sync_copy(rows0, acc_sh.at[didx0], add=True)

        @pl.when(j + 2 < EPW_CHUNKS)
        def _():
            pltpu.async_copy(g_hbm.at[sidx.at[j + 2]], rows0, sem0)
            pltpu.sync_copy(dst_hbm.at[pl.ds(off + 2 * CHUNK, CHUNK)], didx0)

        pltpu.make_async_copy(g_hbm.at[sidx.at[j + 1]], rows1, sem1).wait()
        pltpu.sync_copy(rows1, acc_sh.at[didx1], add=True)

        @pl.when(j + 3 < EPW_CHUNKS)
        def _():
            pltpu.async_copy(g_hbm.at[sidx.at[j + 3]], rows1, sem1)

    plsc.subcore_barrier()
    for k in range(ROWS_PER_TILE // CHUNK):
        r = base + k * CHUNK
        pltpu.sync_copy(acc_sh.at[pl.ds(r, CHUNK)], rows0)
        pltpu.sync_copy(rows0, out_hbm.at[cid, pl.ds(r, CHUNK)])


def _prep_body(x_ref, w_ref, degp_ref, g_ref):
    deg16 = degp_ref[0] + degp_ref[1]
    deg = jnp.sum(deg16[:NGPAD, :], axis=1) + 1.0
    dinv = lax.rsqrt(deg)
    h = jnp.dot(x_ref[...], w_ref[...], preferred_element_type=jnp.float32)
    g_ref[...] = h * dinv[:, None]


_prep_call = pl.pallas_call(
    _prep_body,
    out_shape=jax.ShapeDtypeStruct((NGPAD, D), jnp.float32),
)


def _finish_body(sp_ref, g_ref, degp_ref, b_ref, batch_ref, w2_ref, b2_ref,
                 out_ref):
    S = sp_ref[0, :NGPAD, :] + sp_ref[1, :NGPAD, :]
    deg16 = degp_ref[0] + degp_ref[1]
    deg = jnp.sum(deg16[:NGPAD, :], axis=1) + 1.0
    dinv = lax.rsqrt(deg)
    conv = dinv[:, None] * (S + g_ref[...]) + b_ref[...][None, :]
    hidden = jnp.maximum(conv, 0.0)

    batch = batch_ref[...]
    rows = lax.broadcasted_iota(jnp.int32, (B, NGPAD), 0)
    onehot = (rows == batch[None, :]).astype(jnp.float32)
    sums = jnp.dot(onehot, hidden, preferred_element_type=jnp.float32)
    cnt = jnp.sum(onehot, axis=1)
    pooled = sums / jnp.maximum(cnt, 1.0)[:, None]
    out_ref[...] = (
        jnp.dot(pooled, w2_ref[...], preferred_element_type=jnp.float32)
        + b2_ref[...][None, :]
    )


_finish_call = pl.pallas_call(
    _finish_body,
    out_shape=jax.ShapeDtypeStruct((B, D), jnp.float32),
)


@jax.jit
def kernel(x, edge_idx, batch, W, b, W2, b2):
    src = edge_idx[0]
    dst = edge_idx[1]
    pad_e = EPAD - E
    src_pad = jnp.concatenate([src, jnp.full((pad_e,), N, jnp.int32)])
    dst_pad = jnp.concatenate([dst, jnp.full((pad_e,), NPAD - 1, jnp.int32)])
    src3 = src_pad.reshape(NW, EPW_CHUNKS, CHUNK)
    x_pad = jnp.pad(x, ((0, NGPAD - N), (0, 0)))
    batch_pad = jnp.concatenate([batch, jnp.full((NGPAD - N,), B, jnp.int32)])

    degp = _deg_kernel(dst_pad)
    g_pad = _prep_call(x_pad, W, degp)
    sp = _scatter_call(src3, dst_pad, g_pad)
    return _finish_call(sp, g_pad, degp, b, batch_pad, W2, b2)

# --- scband reference (transcript-rebuilt; emitter-appended) ---
"""Pipeline reference for scband-simple-gcn-62843961475712 (READ-ONLY COPY).

The authoritative reference and input builder live on the scoring server;
editing this copy changes nothing except your own understanding.
"""

import jax, jax.numpy as jnp
import numpy as np

N = 10000
E = 320000
D_IN = 128
D_H = 128
D_OUT = 128
B = 64


def setup_inputs(seed: int = 0) -> dict:
    key = jax.random.key(seed)
    k1, k2, k3, k4, k5 = jax.random.split(key, 5)
    x = jax.random.normal(k1, (N, D_IN), dtype=jnp.float32)
    edge_idx = jax.random.randint(k2, (2, E), 0, N, dtype=jnp.int32)
    batch = jnp.sort(jax.random.randint(k3, (N,), 0, B, dtype=jnp.int32))
    W = jax.random.normal(k4, (D_IN, D_H), dtype=jnp.float32) * 0.05
    b = jnp.zeros((D_H,), dtype=jnp.float32)
    W2 = jax.random.normal(k5, (D_H, D_OUT), dtype=jnp.float32) * 0.05
    b2 = jnp.zeros((D_OUT,), dtype=jnp.float32)
    return {"x": x, "edge_idx": edge_idx, "batch": batch, "W": W, "b": b, "W2": W2, "b2": b2}


def reference(x, edge_idx, batch, W, b, W2, b2):
    # GCNConv (PyG semantics: add self-loops, symmetric normalization)
    src = edge_idx[0]
    dst = edge_idx[1]
    loop = jnp.arange(N, dtype=src.dtype)
    src = jnp.concatenate([src, loop])
    dst = jnp.concatenate([dst, loop])
    h = x @ W  # linear transform first
    deg = jax.ops.segment_sum(jnp.ones_like(dst, dtype=h.dtype), dst, num_segments=N)
    dinv = jnp.where(deg > 0, 1.0 / jnp.sqrt(deg), 0.0)
    norm = dinv[src] * dinv[dst]
    msgs = h[src] * norm[:, None]
    conv_out = jax.ops.segment_sum(msgs, dst, num_segments=N) + b
    hidden = jax.nn.relu(conv_out)
    # global_mean_pool over batch ids
    sums = jax.ops.segment_sum(hidden, batch, num_segments=B)
    cnt = jax.ops.segment_sum(jnp.ones((hidden.shape[0],), dtype=hidden.dtype), batch, num_segments=B)
    pooled = sums / jnp.maximum(cnt, 1.0)[:, None]
    # final linear
    return pooled @ W2 + b2

if __name__ == "__main__":
    import jax
    _d = setup_inputs()
    print(jax.jit(kernel)(*tuple(_d.values())))

</pallas_src>

<mosaic_0001>
#map = affine_map<(d0, d1) -> (0, 0, 0)>
#map1 = affine_map<(d0, d1) -> (0)>
#map2 = affine_map<(d0, d1) -> (0, 0)>
module attributes {stable_mosaic.version = 14 : i64} {
  func.func @_scatter_call(%arg0: i32, %arg1: i32, %arg2: memref<32x80x128xi32, #tpu.memory_space<hbm>>, %arg3: memref<327680xi32, #tpu.memory_space<hbm>>, %arg4: memref<10016x128xf32, #tpu.memory_space<hbm>>, %arg5: memref<2x10240x128xf32, #tpu.memory_space<hbm>>, %arg6: memref<80x128xi32, #tpu.memory_space<vmem>>, %arg7: memref<128xi32, #tpu.memory_space<vmem>>, %arg8: memref<128xi32, #tpu.memory_space<vmem>>, %arg9: memref<128x128xf32, #tpu.memory_space<vmem>>, %arg10: memref<128x128xf32, #tpu.memory_space<vmem>>, %arg11: memref<10240x128xf32, #tpu.memory_space<vmem_shared>>, %arg12: memref<!tpu.dma_semaphore, #tpu.memory_space<semaphore_mem>>, %arg13: memref<!tpu.dma_semaphore, #tpu.memory_space<semaphore_mem>>) attributes {dimension_semantics = [#tpu.dimension_semantics<core_parallel>, #tpu.dimension_semantics<subcore_parallel>], iteration_bounds = array<i64: 2, 16>, scalar_prefetch = 0 : i64, scratch_operands = 8 : i64, tpu.core_type = #tpu.core_type<sc_vector_subcore>, window_params = [{transform_indices = #map}, {transform_indices = #map1}, {transform_indices = #map2}, {transform_indices = #map}]} {
    %mul3A = arith.constant 2 : i32
    %mul3A_0 = arith.muli %arg1, %mul3A : i32
    %add3A = arith.addi %mul3A_0, %arg0 : i32
    "tpu.region"() ({
      %run_scoped3A = tpu.sem_alloc : memref<!tpu.dma_semaphore, #tpu.memory_space<semaphore_mem>>
      %dma_start3A_49 = arith.constant 0 : i32
      %dma_start3A_50 = arith.constant 0 : i32
      %dma_start3A_51 = tpu.memref_slice %arg2[%add3A, %dma_start3A_49, %dma_start3A_50] : memref<32x80x128xi32, #tpu.memory_space<hbm>> -> memref<1x80x128xi32, #tpu.memory_space<hbm>>
      %dma_start3A_52 = tpu.memref_squeeze %dma_start3A_51 : memref<1x80x128xi32, #tpu.memory_space<hbm>> -> memref<80x128xi32, #tpu.memory_space<hbm>>
      %dma_start3A_53 = arith.constant 0 : i32
      %dma_start3A_54 = arith.constant 0 : i32
      %dma_start3A_55 = tpu.memref_slice %arg2[%add3A, %dma_start3A_53, %dma_start3A_54] : memref<32x80x128xi32, #tpu.memory_space<hbm>> -> memref<1x80x128xi32, #tpu.memory_space<hbm>>
      %dma_start3A_56 = tpu.memref_squeeze %dma_start3A_55 : memref<1x80x128xi32, #tpu.memory_space<hbm>> -> memref<80x128xi32, #tpu.memory_space<hbm>>
      tpu.enqueue_dma source(%dma_start3A_56 : memref<80x128xi32, #tpu.memory_space<hbm>>) target(%arg6 : memref<80x128xi32, #tpu.memory_space<vmem>>) target_semaphore(%run_scoped3A : memref<!tpu.dma_semaphore, #tpu.memory_space<semaphore_mem>>)
      %dma_wait3A = arith.constant 0 : i32
      %dma_wait3A_57 = arith.constant 0 : i32
      %dma_wait3A_58 = tpu.memref_slice %arg2[%add3A, %dma_wait3A, %dma_wait3A_57] : memref<32x80x128xi32, #tpu.memory_space<hbm>> -> memref<1x80x128xi32, #tpu.memory_space<hbm>>
      %dma_wait3A_59 = tpu.memref_squeeze %dma_wait3A_58 : memref<1x80x128xi32, #tpu.memory_space<hbm>> -> memref<80x128xi32, #tpu.memory_space<hbm>>
      %dma_wait3A_60 = arith.constant 0 : i32
      %dma_wait3A_61 = arith.constant 0 : i32
      %dma_wait3A_62 = tpu.memref_slice %arg2[%add3A, %dma_wait3A_60, %dma_wait3A_61] : memref<32x80x128xi32, #tpu.memory_space<hbm>> -> memref<1x80x128xi32, #tpu.memory_space<hbm>>
      %dma_wait3A_63 = tpu.memref_squeeze %dma_wait3A_62 : memref<1x80x128xi32, #tpu.memory_space<hbm>> -> memref<80x128xi32, #tpu.memory_space<hbm>>
      tpu.wait_dma2 semaphore(%run_scoped3A : memref<!tpu.dma_semaphore, #tpu.memory_space<semaphore_mem>>) src(%dma_wait3A_63 : memref<80x128xi32, #tpu.memory_space<hbm>>) dst(%arg6 : memref<80x128xi32, #tpu.memory_space<vmem>>)
      tpu.yield
    }) : () -> ()
    %broadcast_in_dim3A = arith.constant 0.000000e+00 : f32
    %broadcast_in_dim3A_1 = vector.broadcast %broadcast_in_dim3A : f32 to vector<16xf32>
    %scan3A = arith.constant 0 : i32
    %scan3A_2 = arith.constant 128 : i32
    %scan3A_3 = arith.addi %scan3A, %scan3A_2 : i32
    %scan3A_4 = arith.constant 1 : i32
    scf.for %scan3A_49 = %scan3A to %scan3A_3 step %scan3A_4  : i32 {
      %mul3A_50 = arith.constant 1 : i32
      %mul3A_51 = arith.muli %scan3A_49, %mul3A_50 : i32
      %add3A_52 = arith.constant 0 : i32
      %add3A_53 = arith.addi %add3A_52, %mul3A_51 : i32
      %swap3A = arith.index_cast %add3A_53 : i32 to index
      %swap3A_54 = arith.constant 0 : index
      %swap3A_55 = tpu.vector_load %arg9[%swap3A, %swap3A_54] {strides = array<i32>} : memref<128x128xf32, #tpu.memory_space<vmem>>, vector<1x16xf32>,
      %swap3A_56 = vector.shape_cast %swap3A_55 : vector<1x16xf32> to vector<16xf32>
      %swap3A_57 = vector.shape_cast %broadcast_in_dim3A_1 : vector<16xf32> to vector<1x16xf32>
      tpu.vector_store %arg9[%swap3A, %swap3A_54], %swap3A_57 {strides = array<i32>} : memref<128x128xf32, #tpu.memory_space<vmem>>, vector<1x16xf32>,
      %swap3A_58 = arith.index_cast %add3A_53 : i32 to index
      %swap3A_59 = arith.constant 16 : index
      %swap3A_60 = tpu.vector_load %arg9[%swap3A_58, %swap3A_59] {strides = array<i32>} : memref<128x128xf32, #tpu.memory_space<vmem>>, vector<1x16xf32>,
      %swap3A_61 = vector.shape_cast %swap3A_60 : vector<1x16xf32> to vector<16xf32>
      %swap3A_62 = vector.shape_cast %broadcast_in_dim3A_1 : vector<16xf32> to vector<1x16xf32>
      tpu.vector_store %arg9[%swap3A_58, %swap3A_59], %swap3A_62 {strides = array<i32>} : memref<128x128xf32, #tpu.memory_space<vmem>>, vector<1x16xf32>,
      %swap3A_63 = arith.index_cast %add3A_53 : i32 to index
      %swap3A_64 = arith.constant 32 : index
      %swap3A_65 = tpu.vector_load %arg9[%swap3A_63, %swap3A_64] {strides = array<i32>} : memref<128x128xf32, #tpu.memory_space<vmem>>, vector<1x16xf32>,
      %swap3A_66 = vector.shape_cast %swap3A_65 : vector<1x16xf32> to vector<16xf32>
      %swap3A_67 = vector.shape_cast %broadcast_in_dim3A_1 : vector<16xf32> to vector<1x16xf32>
      tpu.vector_store %arg9[%swap3A_63, %swap3A_64], %swap3A_67 {strides = array<i32>} : memref<128x128xf32, #tpu.memory_space<vmem>>, vector<1x16xf32>,
      %swap3A_68 = arith.index_cast %add3A_53 : i32 to index
      %swap3A_69 = arith.constant 48 : index
      %swap3A_70 = tpu.vector_load %arg9[%swap3A_68, %swap3A_69] {strides = array<i32>} : memref<128x128xf32, #tpu.memory_space<vmem>>, vector<1x16xf32>,
      %swap3A_71 = vector.shape_cast %swap3A_70 : vector<1x16xf32> to vector<16xf32>
      %swap3A_72 = vector.shape_cast %broadcast_in_dim3A_1 : vector<16xf32> to vector<1x16xf32>
      tpu.vector_store %arg9[%swap3A_68, %swap3A_69], %swap3A_72 {strides = array<i32>} : memref<128x128xf32, #tpu.memory_space<vmem>>, vector<1x16xf32>,
      %swap3A_73 = arith.index_cast %add3A_53 : i32 to index
      %swap3A_74 = arith.constant 64 : index
      %swap3A_75 = tpu.vector_load %arg9[%swap3A_73, %swap3A_74] {strides = array<i32>} : memref<128x128xf32, #tpu.memory_space<vmem>>, vector<1x16xf32>,
      %swap3A_76 = vector.shape_cast %swap3A_75 : vector<1x16xf32> to vector<16xf32>
      %swap3A_77 = vector.shape_cast %broadcast_in_dim3A_1 : vector<16xf32> to vector<1x16xf32>
      tpu.vector_store %arg9[%swap3A_73, %swap3A_74], %swap3A_77 {strides = array<i32>} : memref<128x128xf32, #tpu.memory_space<vmem>>, vector<1x16xf32>,
      %swap3A_78 = arith.index_cast %add3A_53 : i32 to index
      %swap3A_79 = arith.constant 80 : index
      %swap3A_80 = tpu.vector_load %arg9[%swap3A_78, %swap3A_79] {strides = array<i32>} : memref<128x128xf32, #tpu.memory_space<vmem>>, vector<1x16xf32>,
      %swap3A_81 = vector.shape_cast %swap3A_80 : vector<1x16xf32> to vector<16xf32>
      %swap3A_82 = vector.shape_cast %broadcast_in_dim3A_1 : vector<16xf32> to vector<1x16xf32>
      tpu.vector_store %arg9[%swap3A_78, %swap3A_79], %swap3A_82 {strides = array<i32>} : memref<128x128xf32, #tpu.memory_space<vmem>>, vector<1x16xf32>,
      %swap3A_83 = arith.index_cast %add3A_53 : i32 to index
      %swap3A_84 = arith.constant 96 : index
      %swap3A_85 = tpu.vector_load %arg9[%swap3A_83, %swap3A_84] {strides = array<i32>} : memref<128x128xf32, #tpu.memory_space<vmem>>, vector<1x16xf32>,
      %swap3A_86 = vector.shape_cast %swap3A_85 : vector<1x16xf32> to vector<16xf32>
      %swap3A_87 = vector.shape_cast %broadcast_in_dim3A_1 : vector<16xf32> to vector<1x16xf32>
      tpu.vector_store %arg9[%swap3A_83, %swap3A_84], %swap3A_87 {strides = array<i32>} : memref<128x128xf32, #tpu.memory_space<vmem>>, vector<1x16xf32>,
      %swap3A_88 = arith.index_cast %add3A_53 : i32 to index
      %swap3A_89 = arith.constant 112 : index
      %swap3A_90 = tpu.vector_load %arg9[%swap3A_88, %swap3A_89] {strides = array<i32>} : memref<128x128xf32, #tpu.memory_space<vmem>>, vector<1x16xf32>,
      %swap3A_91 = vector.shape_cast %swap3A_90 : vector<1x16xf32> to vector<16xf32>
      %swap3A_92 = vector.shape_cast %broadcast_in_dim3A_1 : vector<16xf32> to vector<1x16xf32>
      tpu.vector_store %arg9[%swap3A_88, %swap3A_89], %swap3A_92 {strides = array<i32>} : memref<128x128xf32, #tpu.memory_space<vmem>>, vector<1x16xf32>,
    }
    %scan3A_5 = arith.constant 128 : i32
    %mul3A_6 = arith.constant 640 : i32
    %mul3A_7 = arith.muli %arg1, %mul3A_6 : i32
    %add3A_8 = arith.constant 0 : i32
    %add3A_9 = arith.addi %mul3A_7, %add3A_8 : i32
    "tpu.region"() ({
      %run_scoped3A = tpu.sem_alloc : memref<!tpu.dma_semaphore, #tpu.memory_space<semaphore_mem>>
      %dma_start3A_49 = arith.constant 0 : i32
      %dma_start3A_50 = tpu.memref_slice %arg11[%add3A_9, %dma_start3A_49] : memref<10240x128xf32, #tpu.memory_space<vmem_shared>> -> memref<128x128xf32, #tpu.memory_space<vmem_shared>>
      %dma_start3A_51 = arith.constant 0 : i32
      %dma_start3A_52 = tpu.memref_slice %arg11[%add3A_9, %dma_start3A_51] : memref<10240x128xf32, #tpu.memory_space<vmem_shared>> -> memref<128x128xf32, #tpu.memory_space<vmem_shared>>
      tpu.enqueue_dma source(%arg9 : memref<128x128xf32, #tpu.memory_space<vmem>>) target(%dma_start3A_52 : memref<128x128xf32, #tpu.memory_space<vmem_shared>>) target_semaphore(%run_scoped3A : memref<!tpu.dma_semaphore, #tpu.memory_space<semaphore_mem>>)
      %dma_wait3A = arith.constant 0 : i32
      %dma_wait3A_53 = tpu.memref_slice %arg11[%add3A_9, %dma_wait3A] : memref<10240x128xf32, #tpu.memory_space<vmem_shared>> -> memref<128x128xf32, #tpu.memory_space<vmem_shared>>
      %dma_wait3A_54 = arith.constant 0 : i32
      %dma_wait3A_55 = tpu.memref_slice %arg11[%add3A_9, %dma_wait3A_54] : memref<10240x128xf32, #tpu.memory_space<vmem_shared>> -> memref<128x128xf32, #tpu.memory_space<vmem_shared>>
      tpu.wait_dma2 semaphore(%run_scoped3A : memref<!tpu.dma_semaphore, #tpu.memory_space<semaphore_mem>>) src(%arg9 : memref<128x128xf32, #tpu.memory_space<vmem>>) dst(%dma_wait3A_55 : memref<128x128xf32, #tpu.memory_space<vmem_shared>>)
      tpu.yield
    }) : () -> ()
    %add3A_10 = arith.constant 128 : i32
    %add3A_11 = arith.addi %mul3A_7, %add3A_10 : i32
    "tpu.region"() ({
      %run_scoped3A = tpu.sem_alloc : memref<!tpu.dma_semaphore, #tpu.memory_space<semaphore_mem>>
      %dma_start3A_49 = arith.constant 0 : i32
      %dma_start3A_50 = tpu.memref_slice %arg11[%add3A_11, %dma_start3A_49] : memref<10240x128xf32, #tpu.memory_space<vmem_shared>> -> memref<128x128xf32, #tpu.memory_space<vmem_shared>>
      %dma_start3A_51 = arith.constant 0 : i32
      %dma_start3A_52 = tpu.memref_slice %arg11[%add3A_11, %dma_start3A_51] : memref<10240x128xf32, #tpu.memory_space<vmem_shared>> -> memref<128x128xf32, #tpu.memory_space<vmem_shared>>
      tpu.enqueue_dma source(%arg9 : memref<128x128xf32, #tpu.memory_space<vmem>>) target(%dma_start3A_52 : memref<128x128xf32, #tpu.memory_space<vmem_shared>>) target_semaphore(%run_scoped3A : memref<!tpu.dma_semaphore, #tpu.memory_space<semaphore_mem>>)
      %dma_wait3A = arith.constant 0 : i32
      %dma_wait3A_53 = tpu.memref_slice %arg11[%add3A_11, %dma_wait3A] : memref<10240x128xf32, #tpu.memory_space<vmem_shared>> -> memref<128x128xf32, #tpu.memory_space<vmem_shared>>
      %dma_wait3A_54 = arith.constant 0 : i32
      %dma_wait3A_55 = tpu.memref_slice %arg11[%add3A_11, %dma_wait3A_54] : memref<10240x128xf32, #tpu.memory_space<vmem_shared>> -> memref<128x128xf32, #tpu.memory_space<vmem_shared>>
      tpu.wait_dma2 semaphore(%run_scoped3A : memref<!tpu.dma_semaphore, #tpu.memory_space<semaphore_mem>>) src(%arg9 : memref<128x128xf32, #tpu.memory_space<vmem>>) dst(%dma_wait3A_55 : memref<128x128xf32, #tpu.memory_space<vmem_shared>>)
      tpu.yield
    }) : () -> ()
    %add3A_12 = arith.constant 256 : i32
    %add3A_13 = arith.addi %mul3A_7, %add3A_12 : i32
    "tpu.region"() ({
      %run_scoped3A = tpu.sem_alloc : memref<!tpu.dma_semaphore, #tpu.memory_space<semaphore_mem>>
      %dma_start3A_49 = arith.constant 0 : i32
      %dma_start3A_50 = tpu.memref_slice %arg11[%add3A_13, %dma_start3A_49] : memref<10240x128xf32, #tpu.memory_space<vmem_shared>> -> memref<128x128xf32, #tpu.memory_space<vmem_shared>>
      %dma_start3A_51 = arith.constant 0 : i32
      %dma_start3A_52 = tpu.memref_slice %arg11[%add3A_13, %dma_start3A_51] : memref<10240x128xf32, #tpu.memory_space<vmem_shared>> -> memref<128x128xf32, #tpu.memory_space<vmem_shared>>
      tpu.enqueue_dma source(%arg9 : memref<128x128xf32, #tpu.memory_space<vmem>>) target(%dma_start3A_52 : memref<128x128xf32, #tpu.memory_space<vmem_shared>>) target_semaphore(%run_scoped3A : memref<!tpu.dma_semaphore, #tpu.memory_space<semaphore_mem>>)
      %dma_wait3A = arith.constant 0 : i32
      %dma_wait3A_53 = tpu.memref_slice %arg11[%add3A_13, %dma_wait3A] : memref<10240x128xf32, #tpu.memory_space<vmem_shared>> -> memref<128x128xf32, #tpu.memory_space<vmem_shared>>
      %dma_wait3A_54 = arith.constant 0 : i32
      %dma_wait3A_55 = tpu.memref_slice %arg11[%add3A_13, %dma_wait3A_54] : memref<10240x128xf32, #tpu.memory_space<vmem_shared>> -> memref<128x128xf32, #tpu.memory_space<vmem_shared>>
      tpu.wait_dma2 semaphore(%run_scoped3A : memref<!tpu.dma_semaphore, #tpu.memory_space<semaphore_mem>>) src(%arg9 : memref<128x128xf32, #tpu.memory_space<vmem>>) dst(%dma_wait3A_55 : memref<128x128xf32, #tpu.memory_space<vmem_shared>>)
      tpu.yield
    }) : () -> ()
    %add3A_14 = arith.constant 384 : i32
    %add3A_15 = arith.addi %mul3A_7, %add3A_14 : i32
    "tpu.region"() ({
      %run_scoped3A = tpu.sem_alloc : memref<!tpu.dma_semaphore, #tpu.memory_space<semaphore_mem>>
      %dma_start3A_49 = arith.constant 0 : i32
      %dma_start3A_50 = tpu.memref_slice %arg11[%add3A_15, %dma_start3A_49] : memref<10240x128xf32, #tpu.memory_space<vmem_shared>> -> memref<128x128xf32, #tpu.memory_space<vmem_shared>>
      %dma_start3A_51 = arith.constant 0 : i32
      %dma_start3A_52 = tpu.memref_slice %arg11[%add3A_15, %dma_start3A_51] : memref<10240x128xf32, #tpu.memory_space<vmem_shared>> -> memref<128x128xf32, #tpu.memory_space<vmem_shared>>
      tpu.enqueue_dma source(%arg9 : memref<128x128xf32, #tpu.memory_space<vmem>>) target(%dma_start3A_52 : memref<128x128xf32, #tpu.memory_space<vmem_shared>>) target_semaphore(%run_scoped3A : memref<!tpu.dma_semaphore, #tpu.memory_space<semaphore_mem>>)
      %dma_wait3A = arith.constant 0 : i32
      %dma_wait3A_53 = tpu.memref_slice %arg11[%add3A_15, %dma_wait3A] : memref<10240x128xf32, #tpu.memory_space<vmem_shared>> -> memref<128x128xf32, #tpu.memory_space<vmem_shared>>
      %dma_wait3A_54 = arith.constant 0 : i32
      %dma_wait3A_55 = tpu.memref_slice %arg11[%add3A_15, %dma_wait3A_54] : memref<10240x128xf32, #tpu.memory_space<vmem_shared>> -> memref<128x128xf32, #tpu.memory_space<vmem_shared>>
      tpu.wait_dma2 semaphore(%run_scoped3A : memref<!tpu.dma_semaphore, #tpu.memory_space<semaphore_mem>>) src(%arg9 : memref<128x128xf32, #tpu.memory_space<vmem>>) dst(%dma_wait3A_55 : memref<128x128xf32, #tpu.memory_space<vmem_shared>>)
      tpu.yield
    }) : () -> ()
    %add3A_16 = arith.constant 512 : i32
    %add3A_17 = arith.addi %mul3A_7, %add3A_16 : i32
    "tpu.region"() ({
      %run_scoped3A = tpu.sem_alloc : memref<!tpu.dma_semaphore, #tpu.memory_space<semaphore_mem>>
      %dma_start3A_49 = arith.constant 0 : i32
      %dma_start3A_50 = tpu.memref_slice %arg11[%add3A_17, %dma_start3A_49] : memref<10240x128xf32, #tpu.memory_space<vmem_shared>> -> memref<128x128xf32, #tpu.memory_space<vmem_shared>>
      %dma_start3A_51 = arith.constant 0 : i32
      %dma_start3A_52 = tpu.memref_slice %arg11[%add3A_17, %dma_start3A_51] : memref<10240x128xf32, #tpu.memory_space<vmem_shared>> -> memref<128x128xf32, #tpu.memory_space<vmem_shared>>
      tpu.enqueue_dma source(%arg9 : memref<128x128xf32, #tpu.memory_space<vmem>>) target(%dma_start3A_52 : memref<128x128xf32, #tpu.memory_space<vmem_shared>>) target_semaphore(%run_scoped3A : memref<!tpu.dma_semaphore, #tpu.memory_space<semaphore_mem>>)
      %dma_wait3A = arith.constant 0 : i32
      %dma_wait3A_53 = tpu.memref_slice %arg11[%add3A_17, %dma_wait3A] : memref<10240x128xf32, #tpu.memory_space<vmem_shared>> -> memref<128x128xf32, #tpu.memory_space<vmem_shared>>
      %dma_wait3A_54 = arith.constant 0 : i32
      %dma_wait3A_55 = tpu.memref_slice %arg11[%add3A_17, %dma_wait3A_54] : memref<10240x128xf32, #tpu.memory_space<vmem_shared>> -> memref<128x128xf32, #tpu.memory_space<vmem_shared>>
      tpu.wait_dma2 semaphore(%run_scoped3A : memref<!tpu.dma_semaphore, #tpu.memory_space<semaphore_mem>>) src(%arg9 : memref<128x128xf32, #tpu.memory_space<vmem>>) dst(%dma_wait3A_55 : memref<128x128xf32, #tpu.memory_space<vmem_shared>>)
      tpu.yield
    }) : () -> ()
    %barrier3A = arith.constant 0 : index
    tpu.barrier barrier_id(%barrier3A)
    %dma_start3A = arith.constant 0 : i32
    %dma_start3A_18 = arith.constant 0 : i32
    %dma_start3A_19 = tpu.memref_slice %arg6[%dma_start3A, %dma_start3A_18] : memref<80x128xi32, #tpu.memory_space<vmem>> -> memref<1x128xi32, #tpu.memory_space<vmem>>
    %dma_start3A_20 = tpu.memref_squeeze %dma_start3A_19 : memref<1x128xi32, #tpu.memory_space<vmem>> -> memref<128xi32, #tpu.memory_space<vmem>>
    %dma_start3A_21 = arith.constant 0 : i32
    %dma_start3A_22 = arith.constant 0 : i32
    %dma_start3A_23 = tpu.memref_slice %arg4[%dma_start3A_21, %dma_start3A_22] : memref<10016x128xf32, #tpu.memory_space<hbm>> -> memref<10016x128xf32, #tpu.memory_space<hbm>>
    tpu.enqueue_indirect_dma source(%dma_start3A_23 : memref<10016x128xf32, #tpu.memory_space<hbm>>) target(%arg9 : memref<128x128xf32, #tpu.memory_space<vmem>>) offsets(%dma_start3A_20 : memref<128xi32, #tpu.memory_space<vmem>>) semaphore(%arg12 : memref<!tpu.dma_semaphore, #tpu.memory_space<semaphore_mem>>)
    %dma_start3A_24 = arith.constant 1 : i32
    %dma_start3A_25 = arith.constant 0 : i32
    %dma_start3A_26 = tpu.memref_slice %arg6[%dma_start3A_24, %dma_start3A_25] : memref<80x128xi32, #tpu.memory_space<vmem>> -> memref<1x128xi32, #tpu.memory_space<vmem>>
    %dma_start3A_27 = tpu.memref_squeeze %dma_start3A_26 : memref<1x128xi32, #tpu.memory_space<vmem>> -> memref<128xi32, #tpu.memory_space<vmem>>
    %dma_start3A_28 = arith.constant 0 : i32
    %dma_start3A_29 = arith.constant 0 : i32
    %dma_start3A_30 = tpu.memref_slice %arg4[%dma_start3A_28, %dma_start3A_29] : memref<10016x128xf32, #tpu.memory_space<hbm>> -> memref<10016x128xf32, #tpu.memory_space<hbm>>
    tpu.enqueue_indirect_dma source(%dma_start3A_30 : memref<10016x128xf32, #tpu.memory_space<hbm>>) target(%arg10 : memref<128x128xf32, #tpu.memory_space<vmem>>) offsets(%dma_start3A_27 : memref<128xi32, #tpu.memory_space<vmem>>) semaphore(%arg13 : memref<!tpu.dma_semaphore, #tpu.memory_space<semaphore_mem>>)
    %mul3A_31 = arith.constant 10240 : i32
    %mul3A_32 = arith.muli %add3A, %mul3A_31 : i32
    "tpu.region"() ({
      %run_scoped3A = tpu.sem_alloc : memref<!tpu.dma_semaphore, #tpu.memory_space<semaphore_mem>>
      %dma_start3A_49 = tpu.memref_slice %arg3[%mul3A_32] : memref<327680xi32, #tpu.memory_space<hbm>> -> memref<128xi32, #tpu.memory_space<hbm>>
      %dma_start3A_50 = tpu.memref_slice %arg3[%mul3A_32] : memref<327680xi32, #tpu.memory_space<hbm>> -> memref<128xi32, #tpu.memory_space<hbm>>
      tpu.enqueue_dma source(%dma_start3A_50 : memref<128xi32, #tpu.memory_space<hbm>>) target(%arg7 : memref<128xi32, #tpu.memory_space<vmem>>) target_semaphore(%run_scoped3A : memref<!tpu.dma_semaphore, #tpu.memory_space<semaphore_mem>>)
      %dma_wait3A = tpu.memref_slice %arg3[%mul3A_32] : memref<327680xi32, #tpu.memory_space<hbm>> -> memref<128xi32, #tpu.memory_space<hbm>>
      %dma_wait3A_51 = tpu.memref_slice %arg3[%mul3A_32] : memref<327680xi32, #tpu.memory_space<hbm>> -> memref<128xi32, #tpu.memory_space<hbm>>
      tpu.wait_dma2 semaphore(%run_scoped3A : memref<!tpu.dma_semaphore, #tpu.memory_space<semaphore_mem>>) src(%dma_wait3A_51 : memref<128xi32, #tpu.memory_space<hbm>>) dst(%arg7 : memref<128xi32, #tpu.memory_space<vmem>>)
      tpu.yield
    }) : () -> ()
    %scan3A_33 = arith.constant 0 : i32
    %scan3A_34 = arith.constant 40 : i32
    %scan3A_35 = arith.addi %scan3A_33, %scan3A_34 : i32
    %scan3A_36 = arith.constant 1 : i32
    scf.for %scan3A_49 = %scan3A_33 to %scan3A_35 step %scan3A_36  : i32 {
      %mul3A_50 = arith.constant 2 : i32
      %mul3A_51 = arith.muli %scan3A_49, %mul3A_50 : i32
      %add3A_52 = arith.constant 0 : i32
      %add3A_53 = arith.addi %add3A_52, %mul3A_51 : i32
      %mul3A_54 = arith.constant 10240 : i32
      %mul3A_55 = arith.muli %add3A, %mul3A_54 : i32
      %mul3A_56 = arith.constant 128 : i32
      %mul3A_57 = arith.muli %add3A_53, %mul3A_56 : i32
      %add3A_58 = arith.addi %mul3A_55, %mul3A_57 : i32
      %add3A_59 = arith.constant 128 : i32
      %add3A_60 = arith.addi %add3A_58, %add3A_59 : i32
      "tpu.region"() ({
        %run_scoped3A = tpu.sem_alloc : memref<!tpu.dma_semaphore, #tpu.memory_space<semaphore_mem>>
        %dma_start3A_85 = tpu.memref_slice %arg3[%add3A_60] : memref<327680xi32, #tpu.memory_space<hbm>> -> memref<128xi32, #tpu.memory_space<hbm>>
        %dma_start3A_86 = tpu.memref_slice %arg3[%add3A_60] : memref<327680xi32, #tpu.memory_space<hbm>> -> memref<128xi32, #tpu.memory_space<hbm>>
        tpu.enqueue_dma source(%dma_start3A_86 : memref<128xi32, #tpu.memory_space<hbm>>) target(%arg8 : memref<128xi32, #tpu.memory_space<vmem>>) target_semaphore(%run_scoped3A : memref<!tpu.dma_semaphore, #tpu.memory_space<semaphore_mem>>)
        %dma_wait3A_87 = tpu.memref_slice %arg3[%add3A_60] : memref<327680xi32, #tpu.memory_space<hbm>> -> memref<128xi32, #tpu.memory_space<hbm>>
        %dma_wait3A_88 = tpu.memref_slice %arg3[%add3A_60] : memref<327680xi32, #tpu.memory_space<hbm>> -> memref<128xi32, #tpu.memory_space<hbm>>
        tpu.wait_dma2 semaphore(%run_scoped3A : memref<!tpu.dma_semaphore, #tpu.memory_space<semaphore_mem>>) src(%dma_wait3A_88 : memref<128xi32, #tpu.memory_space<hbm>>) dst(%arg8 : memref<128xi32, #tpu.memory_space<vmem>>)
        tpu.yield
      }) : () -> ()
      %dma_wait3A = arith.constant 0 : i32
      %dma_wait3A_61 = tpu.memref_slice %arg6[%add3A_53, %dma_wait3A] : memref<80x128xi32, #tpu.memory_space<vmem>> -> memref<1x128xi32, #tpu.memory_space<vmem>>
      %dma_wait3A_62 = tpu.memref_squeeze %dma_wait3A_61 : memref<1x128xi32, #tpu.memory_space<vmem>> -> memref<128xi32, #tpu.memory_space<vmem>>
      %dma_wait3A_63 = arith.constant 0 : i32
      %dma_wait3A_64 = arith.constant 0 : i32
      %dma_wait3A_65 = tpu.memref_slice %arg4[%dma_wait3A_63, %dma_wait3A_64] : memref<10016x128xf32, #tpu.memory_space<hbm>> -> memref<10016x128xf32, #tpu.memory_space<hbm>>
      tpu.wait_indirect_dma semaphore(%arg12 : memref<!tpu.dma_semaphore, #tpu.memory_space<semaphore_mem>>) src(%dma_wait3A_65 : memref<10016x128xf32, #tpu.memory_space<hbm>>) dst(%arg9 : memref<128x128xf32, #tpu.memory_space<vmem>>)
      "tpu.region"() ({
        %run_scoped3A = tpu.sem_alloc : memref<!tpu.dma_semaphore, #tpu.memory_space<semaphore_mem>>
        %dma_start3A_85 = arith.constant 0 : i32
        %dma_start3A_86 = arith.constant 0 : i32
        %dma_start3A_87 = tpu.memref_slice %arg11[%dma_start3A_85, %dma_start3A_86] : memref<10240x128xf32, #tpu.memory_space<vmem_shared>> -> memref<10240x128xf32, #tpu.memory_space<vmem_shared>>
        tpu.enqueue_indirect_dma source(%arg9 : memref<128x128xf32, #tpu.memory_space<vmem>>) target(%dma_start3A_87 : memref<10240x128xf32, #tpu.memory_space<vmem_shared>>) offsets(%arg7 : memref<128xi32, #tpu.memory_space<vmem>>) semaphore(%run_scoped3A : memref<!tpu.dma_semaphore, #tpu.memory_space<semaphore_mem>>) {add = true}
        %dma_wait3A_88 = arith.constant 0 : i32
        %dma_wait3A_89 = arith.constant 0 : i32
        %dma_wait3A_90 = tpu.memref_slice %arg11[%dma_wait3A_88, %dma_wait3A_89] : memref<10240x128xf32, #tpu.memory_space<vmem_shared>> -> memref<10240x128xf32, #tpu.memory_space<vmem_shared>>
        tpu.wait_indirect_dma semaphore(%run_scoped3A : memref<!tpu.dma_semaphore, #tpu.memory_space<semaphore_mem>>) src(%arg9 : memref<128x128xf32, #tpu.memory_space<vmem>>) dst(%dma_wait3A_90 : memref<10240x128xf32, #tpu.memory_space<vmem_shared>>)
        tpu.yield
      }) : () -> ()
      %add3A_66 = arith.constant 2 : i32
      %add3A_67 = arith.addi %add3A_53, %add3A_66 : i32
      %lt3A = arith.constant 80 : i32
      %lt3A_68 = arith.cmpi slt, %add3A_67, %lt3A : i32
      %convert_element_type3A = arith.extui %lt3A_68 : i1 to i32
      %cond3A = arith.constant 0 : i32
      %cond3A_69 = arith.cmpi ne, %convert_element_type3A, %cond3A : i32
      scf.if %cond3A_69 {
        %add3A_85 = arith.constant 2 : i32
        %add3A_86 = arith.addi %add3A_53, %add3A_85 : i32
        %dma_start3A_87 = arith.constant 0 : i32
        %dma_start3A_88 = tpu.memref_slice %arg6[%add3A_86, %dma_start3A_87] : memref<80x128xi32, #tpu.memory_space<vmem>> -> memref<1x128xi32, #tpu.memory_space<vmem>>
        %dma_start3A_89 = tpu.memref_squeeze %dma_start3A_88 : memref<1x128xi32, #tpu.memory_space<vmem>> -> memref<128xi32, #tpu.memory_space<vmem>>
        %dma_start3A_90 = arith.constant 0 : i32
        %dma_start3A_91 = arith.constant 0 : i32
        %dma_start3A_92 = tpu.memref_slice %arg4[%dma_start3A_90, %dma_start3A_91] : memref<10016x128xf32, #tpu.memory_space<hbm>> -> memref<10016x128xf32, #tpu.memory_space<hbm>>
        tpu.enqueue_indirect_dma source(%dma_start3A_92 : memref<10016x128xf32, #tpu.memory_space<hbm>>) target(%arg9 : memref<128x128xf32, #tpu.memory_space<vmem>>) offsets(%dma_start3A_89 : memref<128xi32, #tpu.memory_space<vmem>>) semaphore(%arg12 : memref<!tpu.dma_semaphore, #tpu.memory_space<semaphore_mem>>)
        %add3A_93 = arith.constant 256 : i32
        %add3A_94 = arith.addi %add3A_58, %add3A_93 : i32
        "tpu.region"() ({
          %run_scoped3A = tpu.sem_alloc : memref<!tpu.dma_semaphore, #tpu.memory_space<semaphore_mem>>
          %dma_start3A_95 = tpu.memref_slice %arg3[%add3A_94] : memref<327680xi32, #tpu.memory_space<hbm>> -> memref<128xi32, #tpu.memory_space<hbm>>
          %dma_start3A_96 = tpu.memref_slice %arg3[%add3A_94] : memref<327680xi32, #tpu.memory_space<hbm>> -> memref<128xi32, #tpu.memory_space<hbm>>
          tpu.enqueue_dma source(%dma_start3A_96 : memref<128xi32, #tpu.memory_space<hbm>>) target(%arg7 : memref<128xi32, #tpu.memory_space<vmem>>) target_semaphore(%run_scoped3A : memref<!tpu.dma_semaphore, #tpu.memory_space<semaphore_mem>>)
          %dma_wait3A_97 = tpu.memref_slice %arg3[%add3A_94] : memref<327680xi32, #tpu.memory_space<hbm>> -> memref<128xi32, #tpu.memory_space<hbm>>
          %dma_wait3A_98 = tpu.memref_slice %arg3[%add3A_94] : memref<327680xi32, #tpu.memory_space<hbm>> -> memref<128xi32, #tpu.memory_space<hbm>>
          tpu.wait_dma2 semaphore(%run_scoped3A : memref<!tpu.dma_semaphore, #tpu.memory_space<semaphore_mem>>) src(%dma_wait3A_98 : memref<128xi32, #tpu.memory_space<hbm>>) dst(%arg7 : memref<128xi32, #tpu.memory_space<vmem>>)
          tpu.yield
        }) : () -> ()
      } else {
      }
      %add3A_70 = arith.constant 1 : i32
      %add3A_71 = arith.addi %add3A_53, %add3A_70 : i32
      %dma_wait3A_72 = arith.constant 0 : i32
      %dma_wait3A_73 = tpu.memref_slice %arg6[%add3A_71, %dma_wait3A_72] : memref<80x128xi32, #tpu.memory_space<vmem>> -> memref<1x128xi32, #tpu.memory_space<vmem>>
      %dma_wait3A_74 = tpu.memref_squeeze %dma_wait3A_73 : memref<1x128xi32, #tpu.memory_space<vmem>> -> memref<128xi32, #tpu.memory_space<vmem>>
      %dma_wait3A_75 = arith.constant 0 : i32
      %dma_wait3A_76 = arith.constant 0 : i32
      %dma_wait3A_77 = tpu.memref_slice %arg4[%dma_wait3A_75, %dma_wait3A_76] : memref<10016x128xf32, #tpu.memory_space<hbm>> -> memref<10016x128xf32, #tpu.memory_space<hbm>>
      tpu.wait_indirect_dma semaphore(%arg13 : memref<!tpu.dma_semaphore, #tpu.memory_space<semaphore_mem>>) src(%dma_wait3A_77 : memref<10016x128xf32, #tpu.memory_space<hbm>>) dst(%arg10 : memref<128x128xf32, #tpu.memory_space<vmem>>)
      "tpu.region"() ({
        %run_scoped3A = tpu.sem_alloc : memref<!tpu.dma_semaphore, #tpu.memory_space<semaphore_mem>>
        %dma_start3A_85 = arith.constant 0 : i32
        %dma_start3A_86 = arith.constant 0 : i32
        %dma_start3A_87 = tpu.memref_slice %arg11[%dma_start3A_85, %dma_start3A_86] : memref<10240x128xf32, #tpu.memory_space<vmem_shared>> -> memref<10240x128xf32, #tpu.memory_space<vmem_shared>>
        tpu.enqueue_indirect_dma source(%arg10 : memref<128x128xf32, #tpu.memory_space<vmem>>) target(%dma_start3A_87 : memref<10240x128xf32, #tpu.memory_space<vmem_shared>>) offsets(%arg8 : memref<128xi32, #tpu.memory_space<vmem>>) semaphore(%run_scoped3A : memref<!tpu.dma_semaphore, #tpu.memory_space<semaphore_mem>>) {add = true}
        %dma_wait3A_88 = arith.constant 0 : i32
        %dma_wait3A_89 = arith.constant 0 : i32
        %dma_wait3A_90 = tpu.memref_slice %arg11[%dma_wait3A_88, %dma_wait3A_89] : memref<10240x128xf32, #tpu.memory_space<vmem_shared>> -> memref<10240x128xf32, #tpu.memory_space<vmem_shared>>
        tpu.wait_indirect_dma semaphore(%run_scoped3A : memref<!tpu.dma_semaphore, #tpu.memory_space<semaphore_mem>>) src(%arg10 : memref<128x128xf32, #tpu.memory_space<vmem>>) dst(%dma_wait3A_90 : memref<10240x128xf32, #tpu.memory_space<vmem_shared>>)
        tpu.yield
      }) : () -> ()
      %add3A_78 = arith.constant 3 : i32
      %add3A_79 = arith.addi %add3A_53, %add3A_78 : i32
      %lt3A_80 = arith.constant 80 : i32
      %lt3A_81 = arith.cmpi slt, %add3A_79, %lt3A_80 : i32
      %convert_element_type3A_82 = arith.extui %lt3A_81 : i1 to i32
      %cond3A_83 = arith.constant 0 : i32
      %cond3A_84 = arith.cmpi ne, %convert_element_type3A_82, %cond3A_83 : i32
      scf.if %cond3A_84 {
        %add3A_85 = arith.constant 3 : i32
        %add3A_86 = arith.addi %add3A_53, %add3A_85 : i32
        %dma_start3A_87 = arith.constant 0 : i32
        %dma_start3A_88 = tpu.memref_slice %arg6[%add3A_86, %dma_start3A_87] : memref<80x128xi32, #tpu.memory_space<vmem>> -> memref<1x128xi32, #tpu.memory_space<vmem>>
        %dma_start3A_89 = tpu.memref_squeeze %dma_start3A_88 : memref<1x128xi32, #tpu.memory_space<vmem>> -> memref<128xi32, #tpu.memory_space<vmem>>
        %dma_start3A_90 = arith.constant 0 : i32
        %dma_start3A_91 = arith.constant 0 : i32
        %dma_start3A_92 = tpu.memref_slice %arg4[%dma_start3A_90, %dma_start3A_91] : memref<10016x128xf32, #tpu.memory_space<hbm>> -> memref<10016x128xf32, #tpu.memory_space<hbm>>
        tpu.enqueue_indirect_dma source(%dma_start3A_92 : memref<10016x128xf32, #tpu.memory_space<hbm>>) target(%arg10 : memref<128x128xf32, #tpu.memory_space<vmem>>) offsets(%dma_start3A_89 : memref<128xi32, #tpu.memory_space<vmem>>) semaphore(%arg13 : memref<!tpu.dma_semaphore, #tpu.memory_space<semaphore_mem>>)
      } else {
      }
    }
    %scan3A_37 = arith.constant 40 : i32
    %barrier3A_38 = arith.constant 0 : index
    tpu.barrier barrier_id(%barrier3A_38)
    %add3A_39 = arith.constant 0 : i32
    %add3A_40 = arith.addi %mul3A_7, %add3A_39 : i32
    "tpu.region"() ({
      %run_scoped3A = tpu.sem_alloc : memref<!tpu.dma_semaphore, #tpu.memory_space<semaphore_mem>>
      %dma_start3A_49 = arith.constant 0 : i32
      %dma_start3A_50 = tpu.memref_slice %arg11[%add3A_40, %dma_start3A_49] : memref<10240x128xf32, #tpu.memory_space<vmem_shared>> -> memref<128x128xf32, #tpu.memory_space<vmem_shared>>
      %dma_start3A_51 = arith.constant 0 : i32
      %dma_start3A_52 = tpu.memref_slice %arg11[%add3A_40, %dma_start3A_51] : memref<10240x128xf32, #tpu.memory_space<vmem_shared>> -> memref<128x128xf32, #tpu.memory_space<vmem_shared>>
      tpu.enqueue_dma source(%dma_start3A_52 : memref<128x128xf32, #tpu.memory_space<vmem_shared>>) target(%arg9 : memref<128x128xf32, #tpu.memory_space<vmem>>) target_semaphore(%run_scoped3A : memref<!tpu.dma_semaphore, #tpu.memory_space<semaphore_mem>>)
      %dma_wait3A = arith.constant 0 : i32
      %dma_wait3A_53 = tpu.memref_slice %arg11[%add3A_40, %dma_wait3A] : memref<10240x128xf32, #tpu.memory_space<vmem_shared>> -> memref<128x128xf32, #tpu.memory_space<vmem_shared>>
      %dma_wait3A_54 = arith.constant 0 : i32
      %dma_wait3A_55 = tpu.memref_slice %arg11[%add3A_40, %dma_wait3A_54] : memref<10240x128xf32, #tpu.memory_space<vmem_shared>> -> memref<128x128xf32, #tpu.memory_space<vmem_shared>>
      tpu.wait_dma2 semaphore(%run_scoped3A : memref<!tpu.dma_semaphore, #tpu.memory_space<semaphore_mem>>) src(%dma_wait3A_55 : memref<128x128xf32, #tpu.memory_space<vmem_shared>>) dst(%arg9 : memref<128x128xf32, #tpu.memory_space<vmem>>)
      tpu.yield
    }) : () -> ()
    "tpu.region"() ({
      %run_scoped3A = tpu.sem_alloc : memref<!tpu.dma_semaphore, #tpu.memory_space<semaphore_mem>>
      %dma_start3A_49 = arith.constant 0 : i32
      %dma_start3A_50 = tpu.memref_slice %arg5[%arg0, %add3A_40, %dma_start3A_49] : memref<2x10240x128xf32, #tpu.memory_space<hbm>> -> memref<1x128x128xf32, #tpu.memory_space<hbm>>
      %dma_start3A_51 = tpu.memref_squeeze %dma_start3A_50 : memref<1x128x128xf32, #tpu.memory_space<hbm>> -> memref<128x128xf32, #tpu.memory_space<hbm>>
      %dma_start3A_52 = arith.constant 0 : i32
      %dma_start3A_53 = tpu.memref_slice %arg5[%arg0, %add3A_40, %dma_start3A_52] : memref<2x10240x128xf32, #tpu.memory_space<hbm>> -> memref<1x128x128xf32, #tpu.memory_space<hbm>>
      %dma_start3A_54 = tpu.memref_squeeze %dma_start3A_53 : memref<1x128x128xf32, #tpu.memory_space<hbm>> -> memref<128x128xf32, #tpu.memory_space<hbm>>
      tpu.enqueue_dma source(%arg9 : memref<128x128xf32, #tpu.memory_space<vmem>>) target(%dma_start3A_54 : memref<128x128xf32, #tpu.memory_space<hbm>>) target_semaphore(%run_scoped3A : memref<!tpu.dma_semaphore, #tpu.memory_space<semaphore_mem>>)
      %dma_wait3A = arith.constant 0 : i32
      %dma_wait3A_55 = tpu.memref_slice %arg5[%arg0, %add3A_40, %dma_wait3A] : memref<2x10240x128xf32, #tpu.memory_space<hbm>> -> memref<1x128x128xf32, #tpu.memory_space<hbm>>
      %dma_wait3A_56 = tpu.memref_squeeze %dma_wait3A_55 : memref<1x128x128xf32, #tpu.memory_space<hbm>> -> memref<128x128xf32, #tpu.memory_space<hbm>>
      %dma_wait3A_57 = arith.constant 0 : i32
      %dma_wait3A_58 = tpu.memref_slice %arg5[%arg0, %add3A_40, %dma_wait3A_57] : memref<2x10240x128xf32, #tpu.memory_space<hbm>> -> memref<1x128x128xf32, #tpu.memory_space<hbm>>
      %dma_wait3A_59 = tpu.memref_squeeze %dma_wait3A_58 : memref<1x128x128xf32, #tpu.memory_space<hbm>> -> memref<128x128xf32, #tpu.memory_space<hbm>>
      tpu.wait_dma2 semaphore(%run_scoped3A : memref<!tpu.dma_semaphore, #tpu.memory_space<semaphore_mem>>) src(%arg9 : memref<128x128xf32, #tpu.memory_space<vmem>>) dst(%dma_wait3A_59 : memref<128x128xf32, #tpu.memory_space<hbm>>)
      tpu.yield
    }) : () -> ()
    %add3A_41 = arith.constant 128 : i32
    %add3A_42 = arith.addi %mul3A_7, %add3A_41 : i32
    "tpu.region"() ({
      %run_scoped3A = tpu.sem_alloc : memref<!tpu.dma_semaphore, #tpu.memory_space<semaphore_mem>>
      %dma_start3A_49 = arith.constant 0 : i32
      %dma_start3A_50 = tpu.memref_slice %arg11[%add3A_42, %dma_start3A_49] : memref<10240x128xf32, #tpu.memory_space<vmem_shared>> -> memref<128x128xf32, #tpu.memory_space<vmem_shared>>
      %dma_start3A_51 = arith.constant 0 : i32
      %dma_start3A_52 = tpu.memref_slice %arg11[%add3A_42, %dma_start3A_51] : memref<10240x128xf32, #tpu.memory_space<vmem_shared>> -> memref<128x128xf32, #tpu.memory_space<vmem_shared>>
      tpu.enqueue_dma source(%dma_start3A_52 : memref<128x128xf32, #tpu.memory_space<vmem_shared>>) target(%arg9 : memref<128x128xf32, #tpu.memory_space<vmem>>) target_semaphore(%run_scoped3A : memref<!tpu.dma_semaphore, #tpu.memory_space<semaphore_mem>>)
      %dma_wait3A = arith.constant 0 : i32
      %dma_wait3A_53 = tpu.memref_slice %arg11[%add3A_42, %dma_wait3A] : memref<10240x128xf32, #tpu.memory_space<vmem_shared>> -> memref<128x128xf32, #tpu.memory_space<vmem_shared>>
      %dma_wait3A_54 = arith.constant 0 : i32
      %dma_wait3A_55 = tpu.memref_slice %arg11[%add3A_42, %dma_wait3A_54] : memref<10240x128xf32, #tpu.memory_space<vmem_shared>> -> memref<128x128xf32, #tpu.memory_space<vmem_shared>>
      tpu.wait_dma2 semaphore(%run_scoped3A : memref<!tpu.dma_semaphore, #tpu.memory_space<semaphore_mem>>) src(%dma_wait3A_55 : memref<128x128xf32, #tpu.memory_space<vmem_shared>>) dst(%arg9 : memref<128x128xf32, #tpu.memory_space<vmem>>)
      tpu.yield
    }) : () -> ()
    "tpu.region"() ({
      %run_scoped3A = tpu.sem_alloc : memref<!tpu.dma_semaphore, #tpu.memory_space<semaphore_mem>>
      %dma_start3A_49 = arith.constant 0 : i32
      %dma_start3A_50 = tpu.memref_slice %arg5[%arg0, %add3A_42, %dma_start3A_49] : memref<2x10240x128xf32, #tpu.memory_space<hbm>> -> memref<1x128x128xf32, #tpu.memory_space<hbm>>
      %dma_start3A_51 = tpu.memref_squeeze %dma_start3A_50 : memref<1x128x128xf32, #tpu.memory_space<hbm>> -> memref<128x128xf32, #tpu.memory_space<hbm>>
      %dma_start3A_52 = arith.constant 0 : i32
      %dma_start3A_53 = tpu.memref_slice %arg5[%arg0, %add3A_42, %dma_start3A_52] : memref<2x10240x128xf32, #tpu.memory_space<hbm>> -> memref<1x128x128xf32, #tpu.memory_space<hbm>>
      %dma_start3A_54 = tpu.memref_squeeze %dma_start3A_53 : memref<1x128x128xf32, #tpu.memory_space<hbm>> -> memref<128x128xf32, #tpu.memory_space<hbm>>
      tpu.enqueue_dma source(%arg9 : memref<128x128xf32, #tpu.memory_space<vmem>>) target(%dma_start3A_54 : memref<128x128xf32, #tpu.memory_space<hbm>>) target_semaphore(%run_scoped3A : memref<!tpu.dma_semaphore, #tpu.memory_space<semaphore_mem>>)
      %dma_wait3A = arith.constant 0 : i32
      %dma_wait3A_55 = tpu.memref_slice %arg5[%arg0, %add3A_42, %dma_wait3A] : memref<2x10240x128xf32, #tpu.memory_space<hbm>> -> memref<1x128x128xf32, #tpu.memory_space<hbm>>
      %dma_wait3A_56 = tpu.memref_squeeze %dma_wait3A_55 : memref<1x128x128xf32, #tpu.memory_space<hbm>> -> memref<128x128xf32, #tpu.memory_space<hbm>>
      %dma_wait3A_57 = arith.constant 0 : i32
      %dma_wait3A_58 = tpu.memref_slice %arg5[%arg0, %add3A_42, %dma_wait3A_57] : memref<2x10240x128xf32, #tpu.memory_space<hbm>> -> memref<1x128x128xf32, #tpu.memory_space<hbm>>
      %dma_wait3A_59 = tpu.memref_squeeze %dma_wait3A_58 : memref<1x128x128xf32, #tpu.memory_space<hbm>> -> memref<128x128xf32, #tpu.memory_space<hbm>>
      tpu.wait_dma2 semaphore(%run_scoped3A : memref<!tpu.dma_semaphore, #tpu.memory_space<semaphore_mem>>) src(%arg9 : memref<128x128xf32, #tpu.memory_space<vmem>>) dst(%dma_wait3A_59 : memref<128x128xf32, #tpu.memory_space<hbm>>)
      tpu.yield
    }) : () -> ()
    %add3A_43 = arith.constant 256 : i32
    %add3A_44 = arith.addi %mul3A_7, %add3A_43 : i32
    "tpu.region"() ({
      %run_scoped3A = tpu.sem_alloc : memref<!tpu.dma_semaphore, #tpu.memory_space<semaphore_mem>>
      %dma_start3A_49 = arith.constant 0 : i32
      %dma_start3A_50 = tpu.memref_slice %arg11[%add3A_44, %dma_start3A_49] : memref<10240x128xf32, #tpu.memory_space<vmem_shared>> -> memref<128x128xf32, #tpu.memory_space<vmem_shared>>
      %dma_start3A_51 = arith.constant 0 : i32
      %dma_start3A_52 = tpu.memref_slice %arg11[%add3A_44, %dma_start3A_51] : memref<10240x128xf32, #tpu.memory_space<vmem_shared>> -> memref<128x128xf32, #tpu.memory_space<vmem_shared>>
      tpu.enqueue_dma source(%dma_start3A_52 : memref<128x128xf32, #tpu.memory_space<vmem_shared>>) target(%arg9 : memref<128x128xf32, #tpu.memory_space<vmem>>) target_semaphore(%run_scoped3A : memref<!tpu.dma_semaphore, #tpu.memory_space<semaphore_mem>>)
      %dma_wait3A = arith.constant 0 : i32
      %dma_wait3A_53 = tpu.memref_slice %arg11[%add3A_44, %dma_wait3A] : memref<10240x128xf32, #tpu.memory_space<vmem_shared>> -> memref<128x128xf32, #tpu.memory_space<vmem_shared>>
      %dma_wait3A_54 = arith.constant 0 : i32
      %dma_wait3A_55 = tpu.memref_slice %arg11[%add3A_44, %dma_wait3A_54] : memref<10240x128xf32, #tpu.memory_space<vmem_shared>> -> memref<128x128xf32, #tpu.memory_space<vmem_shared>>
      tpu.wait_dma2 semaphore(%run_scoped3A : memref<!tpu.dma_semaphore, #tpu.memory_space<semaphore_mem>>) src(%dma_wait3A_55 : memref<128x128xf32, #tpu.memory_space<vmem_shared>>) dst(%arg9 : memref<128x128xf32, #tpu.memory_space<vmem>>)
      tpu.yield
    }) : () -> ()
    "tpu.region"() ({
      %run_scoped3A = tpu.sem_alloc : memref<!tpu.dma_semaphore, #tpu.memory_space<semaphore_mem>>
      %dma_start3A_49 = arith.constant 0 : i32
      %dma_start3A_50 = tpu.memref_slice %arg5[%arg0, %add3A_44, %dma_start3A_49] : memref<2x10240x128xf32, #tpu.memory_space<hbm>> -> memref<1x128x128xf32, #tpu.memory_space<hbm>>
      %dma_start3A_51 = tpu.memref_squeeze %dma_start3A_50 : memref<1x128x128xf32, #tpu.memory_space<hbm>> -> memref<128x128xf32, #tpu.memory_space<hbm>>
      %dma_start3A_52 = arith.constant 0 : i32
      %dma_start3A_53 = tpu.memref_slice %arg5[%arg0, %add3A_44, %dma_start3A_52] : memref<2x10240x128xf32, #tpu.memory_space<hbm>> -> memref<1x128x128xf32, #tpu.memory_space<hbm>>
      %dma_start3A_54 = tpu.memref_squeeze %dma_start3A_53 : memref<1x128x128xf32, #tpu.memory_space<hbm>> -> memref<128x128xf32, #tpu.memory_space<hbm>>
      tpu.enqueue_dma source(%arg9 : memref<128x128xf32, #tpu.memory_space<vmem>>) target(%dma_start3A_54 : memref<128x128xf32, #tpu.memory_space<hbm>>) target_semaphore(%run_scoped3A : memref<!tpu.dma_semaphore, #tpu.memory_space<semaphore_mem>>)
      %dma_wait3A = arith.constant 0 : i32
      %dma_wait3A_55 = tpu.memref_slice %arg5[%arg0, %add3A_44, %dma_wait3A] : memref<2x10240x128xf32, #tpu.memory_space<hbm>> -> memref<1x128x128xf32, #tpu.memory_space<hbm>>
      %dma_wait3A_56 = tpu.memref_squeeze %dma_wait3A_55 : memref<1x128x128xf32, #tpu.memory_space<hbm>> -> memref<128x128xf32, #tpu.memory_space<hbm>>
      %dma_wait3A_57 = arith.constant 0 : i32
      %dma_wait3A_58 = tpu.memref_slice %arg5[%arg0, %add3A_44, %dma_wait3A_57] : memref<2x10240x128xf32, #tpu.memory_space<hbm>> -> memref<1x128x128xf32, #tpu.memory_space<hbm>>
      %dma_wait3A_59 = tpu.memref_squeeze %dma_wait3A_58 : memref<1x128x128xf32, #tpu.memory_space<hbm>> -> memref<128x128xf32, #tpu.memory_space<hbm>>
      tpu.wait_dma2 semaphore(%run_scoped3A : memref<!tpu.dma_semaphore, #tpu.memory_space<semaphore_mem>>) src(%arg9 : memref<128x128xf32, #tpu.memory_space<vmem>>) dst(%dma_wait3A_59 : memref<128x128xf32, #tpu.memory_space<hbm>>)
      tpu.yield
    }) : () -> ()
    %add3A_45 = arith.constant 384 : i32
    %add3A_46 = arith.addi %mul3A_7, %add3A_45 : i32
    "tpu.region"() ({
      %run_scoped3A = tpu.sem_alloc : memref<!tpu.dma_semaphore, #tpu.memory_space<semaphore_mem>>
      %dma_start3A_49 = arith.constant 0 : i32
      %dma_start3A_50 = tpu.memref_slice %arg11[%add3A_46, %dma_start3A_49] : memref<10240x128xf32, #tpu.memory_space<vmem_shared>> -> memref<128x128xf32, #tpu.memory_space<vmem_shared>>
      %dma_start3A_51 = arith.constant 0 : i32
      %dma_start3A_52 = tpu.memref_slice %arg11[%add3A_46, %dma_start3A_51] : memref<10240x128xf32, #tpu.memory_space<vmem_shared>> -> memref<128x128xf32, #tpu.memory_space<vmem_shared>>
      tpu.enqueue_dma source(%dma_start3A_52 : memref<128x128xf32, #tpu.memory_space<vmem_shared>>) target(%arg9 : memref<128x128xf32, #tpu.memory_space<vmem>>) target_semaphore(%run_scoped3A : memref<!tpu.dma_semaphore, #tpu.memory_space<semaphore_mem>>)
      %dma_wait3A = arith.constant 0 : i32
      %dma_wait3A_53 = tpu.memref_slice %arg11[%add3A_46, %dma_wait3A] : memref<10240x128xf32, #tpu.memory_space<vmem_shared>> -> memref<128x128xf32, #tpu.memory_space<vmem_shared>>
      %dma_wait3A_54 = arith.constant 0 : i32
      %dma_wait3A_55 = tpu.memref_slice %arg11[%add3A_46, %dma_wait3A_54] : memref<10240x128xf32, #tpu.memory_space<vmem_shared>> -> memref<128x128xf32, #tpu.memory_space<vmem_shared>>
      tpu.wait_dma2 semaphore(%run_scoped3A : memref<!tpu.dma_semaphore, #tpu.memory_space<semaphore_mem>>) src(%dma_wait3A_55 : memref<128x128xf32, #tpu.memory_space<vmem_shared>>) dst(%arg9 : memref<128x128xf32, #tpu.memory_space<vmem>>)
      tpu.yield
    }) : () -> ()
    "tpu.region"() ({
      %run_scoped3A = tpu.sem_alloc : memref<!tpu.dma_semaphore, #tpu.memory_space<semaphore_mem>>
      %dma_start3A_49 = arith.constant 0 : i32
      %dma_start3A_50 = tpu.memref_slice %arg5[%arg0, %add3A_46, %dma_start3A_49] : memref<2x10240x128xf32, #tpu.memory_space<hbm>> -> memref<1x128x128xf32, #tpu.memory_space<hbm>>
      %dma_start3A_51 = tpu.memref_squeeze %dma_start3A_50 : memref<1x128x128xf32, #tpu.memory_space<hbm>> -> memref<128x128xf32, #tpu.memory_space<hbm>>
      %dma_start3A_52 = arith.constant 0 : i32
      %dma_start3A_53 = tpu.memref_slice %arg5[%arg0, %add3A_46, %dma_start3A_52] : memref<2x10240x128xf32, #tpu.memory_space<hbm>> -> memref<1x128x128xf32, #tpu.memory_space<hbm>>
      %dma_start3A_54 = tpu.memref_squeeze %dma_start3A_53 : memref<1x128x128xf32, #tpu.memory_space<hbm>> -> memref<128x128xf32, #tpu.memory_space<hbm>>
      tpu.enqueue_dma source(%arg9 : memref<128x128xf32, #tpu.memory_space<vmem>>) target(%dma_start3A_54 : memref<128x128xf32, #tpu.memory_space<hbm>>) target_semaphore(%run_scoped3A : memref<!tpu.dma_semaphore, #tpu.memory_space<semaphore_mem>>)
      %dma_wait3A = arith.constant 0 : i32
      %dma_wait3A_55 = tpu.memref_slice %arg5[%arg0, %add3A_46, %dma_wait3A] : memref<2x10240x128xf32, #tpu.memory_space<hbm>> -> memref<1x128x128xf32, #tpu.memory_space<hbm>>
      %dma_wait3A_56 = tpu.memref_squeeze %dma_wait3A_55 : memref<1x128x128xf32, #tpu.memory_space<hbm>> -> memref<128x128xf32, #tpu.memory_space<hbm>>
      %dma_wait3A_57 = arith.constant 0 : i32
      %dma_wait3A_58 = tpu.memref_slice %arg5[%arg0, %add3A_46, %dma_wait3A_57] : memref<2x10240x128xf32, #tpu.memory_space<hbm>> -> memref<1x128x128xf32, #tpu.memory_space<hbm>>
      %dma_wait3A_59 = tpu.memref_squeeze %dma_wait3A_58 : memref<1x128x128xf32, #tpu.memory_space<hbm>> -> memref<128x128xf32, #tpu.memory_space<hbm>>
      tpu.wait_dma2 semaphore(%run_scoped3A : memref<!tpu.dma_semaphore, #tpu.memory_space<semaphore_mem>>) src(%arg9 : memref<128x128xf32, #tpu.memory_space<vmem>>) dst(%dma_wait3A_59 : memref<128x128xf32, #tpu.memory_space<hbm>>)
      tpu.yield
    }) : () -> ()
    %add3A_47 = arith.constant 512 : i32
    %add3A_48 = arith.addi %mul3A_7, %add3A_47 : i32
    "tpu.region"() ({
      %run_scoped3A = tpu.sem_alloc : memref<!tpu.dma_semaphore, #tpu.memory_space<semaphore_mem>>
      %dma_start3A_49 = arith.constant 0 : i32
      %dma_start3A_50 = tpu.memref_slice %arg11[%add3A_48, %dma_start3A_49] : memref<10240x128xf32, #tpu.memory_space<vmem_shared>> -> memref<128x128xf32, #tpu.memory_space<vmem_shared>>
      %dma_start3A_51 = arith.constant 0 : i32
      %dma_start3A_52 = tpu.memref_slice %arg11[%add3A_48, %dma_start3A_51] : memref<10240x128xf32, #tpu.memory_space<vmem_shared>> -> memref<128x128xf32, #tpu.memory_space<vmem_shared>>
      tpu.enqueue_dma source(%dma_start3A_52 : memref<128x128xf32, #tpu.memory_space<vmem_shared>>) target(%arg9 : memref<128x128xf32, #tpu.memory_space<vmem>>) target_semaphore(%run_scoped3A : memref<!tpu.dma_semaphore, #tpu.memory_space<semaphore_mem>>)
      %dma_wait3A = arith.constant 0 : i32
      %dma_wait3A_53 = tpu.memref_slice %arg11[%add3A_48, %dma_wait3A] : memref<10240x128xf32, #tpu.memory_space<vmem_shared>> -> memref<128x128xf32, #tpu.memory_space<vmem_shared>>
      %dma_wait3A_54 = arith.constant 0 : i32
      %dma_wait3A_55 = tpu.memref_slice %arg11[%add3A_48, %dma_wait3A_54] : memref<10240x128xf32, #tpu.memory_space<vmem_shared>> -> memref<128x128xf32, #tpu.memory_space<vmem_shared>>
      tpu.wait_dma2 semaphore(%run_scoped3A : memref<!tpu.dma_semaphore, #tpu.memory_space<semaphore_mem>>) src(%dma_wait3A_55 : memref<128x128xf32, #tpu.memory_space<vmem_shared>>) dst(%arg9 : memref<128x128xf32, #tpu.memory_space<vmem>>)
      tpu.yield
    }) : () -> ()
    "tpu.region"() ({
      %run_scoped3A = tpu.sem_alloc : memref<!tpu.dma_semaphore, #tpu.memory_space<semaphore_mem>>
      %dma_start3A_49 = arith.constant 0 : i32
      %dma_start3A_50 = tpu.memref_slice %arg5[%arg0, %add3A_48, %dma_start3A_49] : memref<2x10240x128xf32, #tpu.memory_space<hbm>> -> memref<1x128x128xf32, #tpu.memory_space<hbm>>
      %dma_start3A_51 = tpu.memref_squeeze %dma_start3A_50 : memref<1x128x128xf32, #tpu.memory_space<hbm>> -> memref<128x128xf32, #tpu.memory_space<hbm>>
      %dma_start3A_52 = arith.constant 0 : i32
      %dma_start3A_53 = tpu.memref_slice %arg5[%arg0, %add3A_48, %dma_start3A_52] : memref<2x10240x128xf32, #tpu.memory_space<hbm>> -> memref<1x128x128xf32, #tpu.memory_space<hbm>>
      %dma_start3A_54 = tpu.memref_squeeze %dma_start3A_53 : memref<1x128x128xf32, #tpu.memory_space<hbm>> -> memref<128x128xf32, #tpu.memory_space<hbm>>
      tpu.enqueue_dma source(%arg9 : memref<128x128xf32, #tpu.memory_space<vmem>>) target(%dma_start3A_54 : memref<128x128xf32, #tpu.memory_space<hbm>>) target_semaphore(%run_scoped3A : memref<!tpu.dma_semaphore, #tpu.memory_space<semaphore_mem>>)
      %dma_wait3A = arith.constant 0 : i32
      %dma_wait3A_55 = tpu.memref_slice %arg5[%arg0, %add3A_48, %dma_wait3A] : memref<2x10240x128xf32, #tpu.memory_space<hbm>> -> memref<1x128x128xf32, #tpu.memory_space<hbm>>
      %dma_wait3A_56 = tpu.memref_squeeze %dma_wait3A_55 : memref<1x128x128xf32, #tpu.memory_space<hbm>> -> memref<128x128xf32, #tpu.memory_space<hbm>>
      %dma_wait3A_57 = arith.constant 0 : i32
      %dma_wait3A_58 = tpu.memref_slice %arg5[%arg0, %add3A_48, %dma_wait3A_57] : memref<2x10240x128xf32, #tpu.memory_space<hbm>> -> memref<1x128x128xf32, #tpu.memory_space<hbm>>
      %dma_wait3A_59 = tpu.memref_squeeze %dma_wait3A_58 : memref<1x128x128xf32, #tpu.memory_space<hbm>> -> memref<128x128xf32, #tpu.memory_space<hbm>>
      tpu.wait_dma2 semaphore(%run_scoped3A : memref<!tpu.dma_semaphore, #tpu.memory_space<semaphore_mem>>) src(%arg9 : memref<128x128xf32, #tpu.memory_space<vmem>>) dst(%dma_wait3A_59 : memref<128x128xf32, #tpu.memory_space<hbm>>)
      tpu.yield
    }) : () -> ()
    return
  }
}

#map = affine_map<(d0, d1) -> (0)>
#map1 = affine_map<(d0, d1) -> (0, 0, 0)>
module attributes {stable_mosaic.version = 14 : i64} {
  func.func @_deg_kernel(%arg0: i32, %arg1: i32, %arg2: memref<327680xi32, #tpu.memory_space<hbm>>, %arg3: memref<2x10240x16xf32, #tpu.memory_space<hbm>>, %arg4: memref<128xi32, #tpu.memory_space<vmem>>, %arg5: memref<128xi32, #tpu.memory_space<vmem>>, %arg6: memref<128x16xf32, #tpu.memory_space<vmem>>, %arg7: memref<128x16xf32, #tpu.memory_space<vmem>>, %arg8: memref<10240x16xf32, #tpu.memory_space<vmem_shared>>) attributes {dimension_semantics = [#tpu.dimension_semantics<core_parallel>, #tpu.dimension_semantics<subcore_parallel>], iteration_bounds = array<i64: 2, 16>, scalar_prefetch = 0 : i64, scratch_operands = 5 : i64, tpu.core_type = #tpu.core_type<sc_vector_subcore>, window_params = [{transform_indices = #map}, {transform_indices = #map1}]} {
    %mul3A = arith.constant 2 : i32
    %mul3A_0 = arith.muli %arg1, %mul3A : i32
    %add3A = arith.addi %mul3A_0, %arg0 : i32
    %iota3A = tpu.iota {dimensions = array<i32: 0>} : vector<16xi32>
    %eq3A = arith.constant 0 : i32
    %eq3A_1 = vector.broadcast %eq3A : i32 to vector<16xi32>
    %eq3A_2 = arith.cmpi eq, %iota3A, %eq3A_1 : vector<16xi32>
    %jit3A = arith.constant 1.000000e+00 : f32
    %jit3A_3 = arith.constant 0.000000e+00 : f32
    %broadcast_in_dim3A = vector.broadcast %jit3A : f32 to vector<16xf32>
    %broadcast_in_dim3A_4 = vector.broadcast %jit3A_3 : f32 to vector<16xf32>
    %select_n3A = arith.select %eq3A_2, %broadcast_in_dim3A, %broadcast_in_dim3A_4 : vector<16xi1>, vector<16xf32>
    %scan3A = arith.constant 0 : i32
    %scan3A_5 = arith.constant 128 : i32
    %scan3A_6 = arith.addi %scan3A, %scan3A_5 : i32
    %scan3A_7 = arith.constant 1 : i32
    scf.for %scan3A_46 = %scan3A to %scan3A_6 step %scan3A_7  : i32 {
      %mul3A_47 = arith.constant 1 : i32
      %mul3A_48 = arith.muli %scan3A_46, %mul3A_47 : i32
      %add3A_49 = arith.constant 0 : i32
      %add3A_50 = arith.addi %add3A_49, %mul3A_48 : i32
      %swap3A = arith.index_cast %add3A_50 : i32 to index
      %swap3A_51 = arith.constant 0 : index
      %swap3A_52 = tpu.vector_load %arg6[%swap3A, %swap3A_51] {strides = array<i32>} : memref<128x16xf32, #tpu.memory_space<vmem>>, vector<1x16xf32>,
      %swap3A_53 = vector.shape_cast %swap3A_52 : vector<1x16xf32> to vector<16xf32>
      %swap3A_54 = vector.shape_cast %select_n3A : vector<16xf32> to vector<1x16xf32>
      tpu.vector_store %arg6[%swap3A, %swap3A_51], %swap3A_54 {strides = array<i32>} : memref<128x16xf32, #tpu.memory_space<vmem>>, vector<1x16xf32>,
    }
    %scan3A_8 = arith.constant 128 : i32
    %broadcast_in_dim3A_9 = arith.constant 0.000000e+00 : f32
    %broadcast_in_dim3A_10 = vector.broadcast %broadcast_in_dim3A_9 : f32 to vector<16xf32>
    %scan3A_11 = arith.constant 0 : i32
    %scan3A_12 = arith.constant 128 : i32
    %scan3A_13 = arith.addi %scan3A_11, %scan3A_12 : i32
    %scan3A_14 = arith.constant 1 : i32
    scf.for %scan3A_46 = %scan3A_11 to %scan3A_13 step %scan3A_14  : i32 {
      %mul3A_47 = arith.constant 1 : i32
      %mul3A_48 = arith.muli %scan3A_46, %mul3A_47 : i32
      %add3A_49 = arith.constant 0 : i32
      %add3A_50 = arith.addi %add3A_49, %mul3A_48 : i32
      %swap3A = arith.index_cast %add3A_50 : i32 to index
      %swap3A_51 = arith.constant 0 : index
      %swap3A_52 = tpu.vector_load %arg7[%swap3A, %swap3A_51] {strides = array<i32>} : memref<128x16xf32, #tpu.memory_space<vmem>>, vector<1x16xf32>,
      %swap3A_53 = vector.shape_cast %swap3A_52 : vector<1x16xf32> to vector<16xf32>
      %swap3A_54 = vector.shape_cast %broadcast_in_dim3A_10 : vector<16xf32> to vector<1x16xf32>
      tpu.vector_store %arg7[%swap3A, %swap3A_51], %swap3A_54 {strides = array<i32>} : memref<128x16xf32, #tpu.memory_space<vmem>>, vector<1x16xf32>,
    }
    %scan3A_15 = arith.constant 128 : i32
    %mul3A_16 = arith.constant 640 : i32
    %mul3A_17 = arith.muli %arg1, %mul3A_16 : i32
    %add3A_18 = arith.constant 0 : i32
    %add3A_19 = arith.addi %mul3A_17, %add3A_18 : i32
    "tpu.region"() ({
      %run_scoped3A = tpu.sem_alloc : memref<!tpu.dma_semaphore, #tpu.memory_space<semaphore_mem>>
      %dma_start3A = arith.constant 0 : i32
      %dma_start3A_46 = tpu.memref_slice %arg8[%add3A_19, %dma_start3A] : memref<10240x16xf32, #tpu.memory_space<vmem_shared>> -> memref<128x16xf32, #tpu.memory_space<vmem_shared>>
      %dma_start3A_47 = arith.constant 0 : i32
      %dma_start3A_48 = tpu.memref_slice %arg8[%add3A_19, %dma_start3A_47] : memref<10240x16xf32, #tpu.memory_space<vmem_shared>> -> memref<128x16xf32, #tpu.memory_space<vmem_shared>>
      tpu.enqueue_dma source(%arg7 : memref<128x16xf32, #tpu.memory_space<vmem>>) target(%dma_start3A_48 : memref<128x16xf32, #tpu.memory_space<vmem_shared>>) target_semaphore(%run_scoped3A : memref<!tpu.dma_semaphore, #tpu.memory_space<semaphore_mem>>)
      %dma_wait3A = arith.constant 0 : i32
      %dma_wait3A_49 = tpu.memref_slice %arg8[%add3A_19, %dma_wait3A] : memref<10240x16xf32, #tpu.memory_space<vmem_shared>> -> memref<128x16xf32, #tpu.memory_space<vmem_shared>>
      %dma_wait3A_50 = arith.constant 0 : i32
      %dma_wait3A_51 = tpu.memref_slice %arg8[%add3A_19, %dma_wait3A_50] : memref<10240x16xf32, #tpu.memory_space<vmem_shared>> -> memref<128x16xf32, #tpu.memory_space<vmem_shared>>
      tpu.wait_dma2 semaphore(%run_scoped3A : memref<!tpu.dma_semaphore, #tpu.memory_space<semaphore_mem>>) src(%arg7 : memref<128x16xf32, #tpu.memory_space<vmem>>) dst(%dma_wait3A_51 : memref<128x16xf32, #tpu.memory_space<vmem_shared>>)
      tpu.yield
    }) : () -> ()
    %add3A_20 = arith.constant 128 : i32
    %add3A_21 = arith.addi %mul3A_17, %add3A_20 : i32
    "tpu.region"() ({
      %run_scoped3A = tpu.sem_alloc : memref<!tpu.dma_semaphore, #tpu.memory_space<semaphore_mem>>
      %dma_start3A = arith.constant 0 : i32
      %dma_start3A_46 = tpu.memref_slice %arg8[%add3A_21, %dma_start3A] : memref<10240x16xf32, #tpu.memory_space<vmem_shared>> -> memref<128x16xf32, #tpu.memory_space<vmem_shared>>
      %dma_start3A_47 = arith.constant 0 : i32
      %dma_start3A_48 = tpu.memref_slice %arg8[%add3A_21, %dma_start3A_47] : memref<10240x16xf32, #tpu.memory_space<vmem_shared>> -> memref<128x16xf32, #tpu.memory_space<vmem_shared>>
      tpu.enqueue_dma source(%arg7 : memref<128x16xf32, #tpu.memory_space<vmem>>) target(%dma_start3A_48 : memref<128x16xf32, #tpu.memory_space<vmem_shared>>) target_semaphore(%run_scoped3A : memref<!tpu.dma_semaphore, #tpu.memory_space<semaphore_mem>>)
      %dma_wait3A = arith.constant 0 : i32
      %dma_wait3A_49 = tpu.memref_slice %arg8[%add3A_21, %dma_wait3A] : memref<10240x16xf32, #tpu.memory_space<vmem_shared>> -> memref<128x16xf32, #tpu.memory_space<vmem_shared>>
      %dma_wait3A_50 = arith.constant 0 : i32
      %dma_wait3A_51 = tpu.memref_slice %arg8[%add3A_21, %dma_wait3A_50] : memref<10240x16xf32, #tpu.memory_space<vmem_shared>> -> memref<128x16xf32, #tpu.memory_space<vmem_shared>>
      tpu.wait_dma2 semaphore(%run_scoped3A : memref<!tpu.dma_semaphore, #tpu.memory_space<semaphore_mem>>) src(%arg7 : memref<128x16xf32, #tpu.memory_space<vmem>>) dst(%dma_wait3A_51 : memref<128x16xf32, #tpu.memory_space<vmem_shared>>)
      tpu.yield
    }) : () -> ()
    %add3A_22 = arith.constant 256 : i32
    %add3A_23 = arith.addi %mul3A_17, %add3A_22 : i32
    "tpu.region"() ({
      %run_scoped3A = tpu.sem_alloc : memref<!tpu.dma_semaphore, #tpu.memory_space<semaphore_mem>>
      %dma_start3A = arith.constant 0 : i32
      %dma_start3A_46 = tpu.memref_slice %arg8[%add3A_23, %dma_start3A] : memref<10240x16xf32, #tpu.memory_space<vmem_shared>> -> memref<128x16xf32, #tpu.memory_space<vmem_shared>>
      %dma_start3A_47 = arith.constant 0 : i32
      %dma_start3A_48 = tpu.memref_slice %arg8[%add3A_23, %dma_start3A_47] : memref<10240x16xf32, #tpu.memory_space<vmem_shared>> -> memref<128x16xf32, #tpu.memory_space<vmem_shared>>
      tpu.enqueue_dma source(%arg7 : memref<128x16xf32, #tpu.memory_space<vmem>>) target(%dma_start3A_48 : memref<128x16xf32, #tpu.memory_space<vmem_shared>>) target_semaphore(%run_scoped3A : memref<!tpu.dma_semaphore, #tpu.memory_space<semaphore_mem>>)
      %dma_wait3A = arith.constant 0 : i32
      %dma_wait3A_49 = tpu.memref_slice %arg8[%add3A_23, %dma_wait3A] : memref<10240x16xf32, #tpu.memory_space<vmem_shared>> -> memref<128x16xf32, #tpu.memory_space<vmem_shared>>
      %dma_wait3A_50 = arith.constant 0 : i32
      %dma_wait3A_51 = tpu.memref_slice %arg8[%add3A_23, %dma_wait3A_50] : memref<10240x16xf32, #tpu.memory_space<vmem_shared>> -> memref<128x16xf32, #tpu.memory_space<vmem_shared>>
      tpu.wait_dma2 semaphore(%run_scoped3A : memref<!tpu.dma_semaphore, #tpu.memory_space<semaphore_mem>>) src(%arg7 : memref<128x16xf32, #tpu.memory_space<vmem>>) dst(%dma_wait3A_51 : memref<128x16xf32, #tpu.memory_space<vmem_shared>>)
      tpu.yield
    }) : () -> ()
    %add3A_24 = arith.constant 384 : i32
    %add3A_25 = arith.addi %mul3A_17, %add3A_24 : i32
    "tpu.region"() ({
      %run_scoped3A = tpu.sem_alloc : memref<!tpu.dma_semaphore, #tpu.memory_space<semaphore_mem>>
      %dma_start3A = arith.constant 0 : i32
      %dma_start3A_46 = tpu.memref_slice %arg8[%add3A_25, %dma_start3A] : memref<10240x16xf32, #tpu.memory_space<vmem_shared>> -> memref<128x16xf32, #tpu.memory_space<vmem_shared>>
      %dma_start3A_47 = arith.constant 0 : i32
      %dma_start3A_48 = tpu.memref_slice %arg8[%add3A_25, %dma_start3A_47] : memref<10240x16xf32, #tpu.memory_space<vmem_shared>> -> memref<128x16xf32, #tpu.memory_space<vmem_shared>>
      tpu.enqueue_dma source(%arg7 : memref<128x16xf32, #tpu.memory_space<vmem>>) target(%dma_start3A_48 : memref<128x16xf32, #tpu.memory_space<vmem_shared>>) target_semaphore(%run_scoped3A : memref<!tpu.dma_semaphore, #tpu.memory_space<semaphore_mem>>)
      %dma_wait3A = arith.constant 0 : i32
      %dma_wait3A_49 = tpu.memref_slice %arg8[%add3A_25, %dma_wait3A] : memref<10240x16xf32, #tpu.memory_space<vmem_shared>> -> memref<128x16xf32, #tpu.memory_space<vmem_shared>>
      %dma_wait3A_50 = arith.constant 0 : i32
      %dma_wait3A_51 = tpu.memref_slice %arg8[%add3A_25, %dma_wait3A_50] : memref<10240x16xf32, #tpu.memory_space<vmem_shared>> -> memref<128x16xf32, #tpu.memory_space<vmem_shared>>
      tpu.wait_dma2 semaphore(%run_scoped3A : memref<!tpu.dma_semaphore, #tpu.memory_space<semaphore_mem>>) src(%arg7 : memref<128x16xf32, #tpu.memory_space<vmem>>) dst(%dma_wait3A_51 : memref<128x16xf32, #tpu.memory_space<vmem_shared>>)
      tpu.yield
    }) : () -> ()
    %add3A_26 = arith.constant 512 : i32
    %add3A_27 = arith.addi %mul3A_17, %add3A_26 : i32
    "tpu.region"() ({
      %run_scoped3A = tpu.sem_alloc : memref<!tpu.dma_semaphore, #tpu.memory_space<semaphore_mem>>
      %dma_start3A = arith.constant 0 : i32
      %dma_start3A_46 = tpu.memref_slice %arg8[%add3A_27, %dma_start3A] : memref<10240x16xf32, #tpu.memory_space<vmem_shared>> -> memref<128x16xf32, #tpu.memory_space<vmem_shared>>
      %dma_start3A_47 = arith.constant 0 : i32
      %dma_start3A_48 = tpu.memref_slice %arg8[%add3A_27, %dma_start3A_47] : memref<10240x16xf32, #tpu.memory_space<vmem_shared>> -> memref<128x16xf32, #tpu.memory_space<vmem_shared>>
      tpu.enqueue_dma source(%arg7 : memref<128x16xf32, #tpu.memory_space<vmem>>) target(%dma_start3A_48 : memref<128x16xf32, #tpu.memory_space<vmem_shared>>) target_semaphore(%run_scoped3A : memref<!tpu.dma_semaphore, #tpu.memory_space<semaphore_mem>>)
      %dma_wait3A = arith.constant 0 : i32
      %dma_wait3A_49 = tpu.memref_slice %arg8[%add3A_27, %dma_wait3A] : memref<10240x16xf32, #tpu.memory_space<vmem_shared>> -> memref<128x16xf32, #tpu.memory_space<vmem_shared>>
      %dma_wait3A_50 = arith.constant 0 : i32
      %dma_wait3A_51 = tpu.memref_slice %arg8[%add3A_27, %dma_wait3A_50] : memref<10240x16xf32, #tpu.memory_space<vmem_shared>> -> memref<128x16xf32, #tpu.memory_space<vmem_shared>>
      tpu.wait_dma2 semaphore(%run_scoped3A : memref<!tpu.dma_semaphore, #tpu.memory_space<semaphore_mem>>) src(%arg7 : memref<128x16xf32, #tpu.memory_space<vmem>>) dst(%dma_wait3A_51 : memref<128x16xf32, #tpu.memory_space<vmem_shared>>)
      tpu.yield
    }) : () -> ()
    %barrier3A = arith.constant 0 : index
    tpu.barrier barrier_id(%barrier3A)
    %mul3A_28 = arith.constant 10240 : i32
    %mul3A_29 = arith.muli %add3A, %mul3A_28 : i32
    "tpu.region"() ({
      %run_scoped3A = tpu.sem_alloc : memref<!tpu.dma_semaphore, #tpu.memory_space<semaphore_mem>>
      %dma_start3A = tpu.memref_slice %arg2[%mul3A_29] : memref<327680xi32, #tpu.memory_space<hbm>> -> memref<128xi32, #tpu.memory_space<hbm>>
      %dma_start3A_46 = tpu.memref_slice %arg2[%mul3A_29] : memref<327680xi32, #tpu.memory_space<hbm>> -> memref<128xi32, #tpu.memory_space<hbm>>
      tpu.enqueue_dma source(%dma_start3A_46 : memref<128xi32, #tpu.memory_space<hbm>>) target(%arg4 : memref<128xi32, #tpu.memory_space<vmem>>) target_semaphore(%run_scoped3A : memref<!tpu.dma_semaphore, #tpu.memory_space<semaphore_mem>>)
      %dma_wait3A = tpu.memref_slice %arg2[%mul3A_29] : memref<327680xi32, #tpu.memory_space<hbm>> -> memref<128xi32, #tpu.memory_space<hbm>>
      %dma_wait3A_47 = tpu.memref_slice %arg2[%mul3A_29] : memref<327680xi32, #tpu.memory_space<hbm>> -> memref<128xi32, #tpu.memory_space<hbm>>
      tpu.wait_dma2 semaphore(%run_scoped3A : memref<!tpu.dma_semaphore, #tpu.memory_space<semaphore_mem>>) src(%dma_wait3A_47 : memref<128xi32, #tpu.memory_space<hbm>>) dst(%arg4 : memref<128xi32, #tpu.memory_space<vmem>>)
      tpu.yield
    }) : () -> ()
    %scan3A_30 = arith.constant 0 : i32
    %scan3A_31 = arith.constant 40 : i32
    %scan3A_32 = arith.addi %scan3A_30, %scan3A_31 : i32
    %scan3A_33 = arith.constant 1 : i32
    scf.for %scan3A_46 = %scan3A_30 to %scan3A_32 step %scan3A_33  : i32 {
      %mul3A_47 = arith.constant 2 : i32
      %mul3A_48 = arith.muli %scan3A_46, %mul3A_47 : i32
      %add3A_49 = arith.constant 0 : i32
      %add3A_50 = arith.addi %add3A_49, %mul3A_48 : i32
      %mul3A_51 = arith.constant 10240 : i32
      %mul3A_52 = arith.muli %add3A, %mul3A_51 : i32
      %mul3A_53 = arith.constant 128 : i32
      %mul3A_54 = arith.muli %add3A_50, %mul3A_53 : i32
      %add3A_55 = arith.addi %mul3A_52, %mul3A_54 : i32
      %add3A_56 = arith.constant 1 : i32
      %add3A_57 = arith.addi %add3A_50, %add3A_56 : i32
      %lt3A = arith.constant 80 : i32
      %lt3A_58 = arith.cmpi slt, %add3A_57, %lt3A : i32
      %convert_element_type3A = arith.extui %lt3A_58 : i1 to i32
      %cond3A = arith.constant 0 : i32
      %cond3A_59 = arith.cmpi ne, %convert_element_type3A, %cond3A : i32
      scf.if %cond3A_59 {
        %add3A_74 = arith.constant 128 : i32
        %add3A_75 = arith.addi %add3A_55, %add3A_74 : i32
        "tpu.region"() ({
          %run_scoped3A = tpu.sem_alloc : memref<!tpu.dma_semaphore, #tpu.memory_space<semaphore_mem>>
          %dma_start3A = tpu.memref_slice %arg2[%add3A_75] : memref<327680xi32, #tpu.memory_space<hbm>> -> memref<128xi32, #tpu.memory_space<hbm>>
          %dma_start3A_76 = tpu.memref_slice %arg2[%add3A_75] : memref<327680xi32, #tpu.memory_space<hbm>> -> memref<128xi32, #tpu.memory_space<hbm>>
          tpu.enqueue_dma source(%dma_start3A_76 : memref<128xi32, #tpu.memory_space<hbm>>) target(%arg5 : memref<128xi32, #tpu.memory_space<vmem>>) target_semaphore(%run_scoped3A : memref<!tpu.dma_semaphore, #tpu.memory_space<semaphore_mem>>)
          %dma_wait3A = tpu.memref_slice %arg2[%add3A_75] : memref<327680xi32, #tpu.memory_space<hbm>> -> memref<128xi32, #tpu.memory_space<hbm>>
          %dma_wait3A_77 = tpu.memref_slice %arg2[%add3A_75] : memref<327680xi32, #tpu.memory_space<hbm>> -> memref<128xi32, #tpu.memory_space<hbm>>
          tpu.wait_dma2 semaphore(%run_scoped3A : memref<!tpu.dma_semaphore, #tpu.memory_space<semaphore_mem>>) src(%dma_wait3A_77 : memref<128xi32, #tpu.memory_space<hbm>>) dst(%arg5 : memref<128xi32, #tpu.memory_space<vmem>>)
          tpu.yield
        }) : () -> ()
      } else {
      }
      "tpu.region"() ({
        %run_scoped3A = tpu.sem_alloc : memref<!tpu.dma_semaphore, #tpu.memory_space<semaphore_mem>>
        %dma_start3A = arith.constant 0 : i32
        %dma_start3A_74 = arith.constant 0 : i32
        %dma_start3A_75 = tpu.memref_slice %arg8[%dma_start3A, %dma_start3A_74] : memref<10240x16xf32, #tpu.memory_space<vmem_shared>> -> memref<10240x16xf32, #tpu.memory_space<vmem_shared>>
        tpu.enqueue_indirect_dma source(%arg6 : memref<128x16xf32, #tpu.memory_space<vmem>>) target(%dma_start3A_75 : memref<10240x16xf32, #tpu.memory_space<vmem_shared>>) offsets(%arg4 : memref<128xi32, #tpu.memory_space<vmem>>) semaphore(%run_scoped3A : memref<!tpu.dma_semaphore, #tpu.memory_space<semaphore_mem>>) {add = true}
        %dma_wait3A = arith.constant 0 : i32
        %dma_wait3A_76 = arith.constant 0 : i32
        %dma_wait3A_77 = tpu.memref_slice %arg8[%dma_wait3A, %dma_wait3A_76] : memref<10240x16xf32, #tpu.memory_space<vmem_shared>> -> memref<10240x16xf32, #tpu.memory_space<vmem_shared>>
        tpu.wait_indirect_dma semaphore(%run_scoped3A : memref<!tpu.dma_semaphore, #tpu.memory_space<semaphore_mem>>) src(%arg6 : memref<128x16xf32, #tpu.memory_space<vmem>>) dst(%dma_wait3A_77 : memref<10240x16xf32, #tpu.memory_space<vmem_shared>>)
        tpu.yield
      }) : () -> ()
      %add3A_60 = arith.constant 2 : i32
      %add3A_61 = arith.addi %add3A_50, %add3A_60 : i32
      %lt3A_62 = arith.constant 80 : i32
      %lt3A_63 = arith.cmpi slt, %add3A_61, %lt3A_62 : i32
      %convert_element_type3A_64 = arith.extui %lt3A_63 : i1 to i32
      %cond3A_65 = arith.constant 0 : i32
      %cond3A_66 = arith.cmpi ne, %convert_element_type3A_64, %cond3A_65 : i32
      scf.if %cond3A_66 {
        %add3A_74 = arith.constant 256 : i32
        %add3A_75 = arith.addi %add3A_55, %add3A_74 : i32
        "tpu.region"() ({
          %run_scoped3A = tpu.sem_alloc : memref<!tpu.dma_semaphore, #tpu.memory_space<semaphore_mem>>
          %dma_start3A = tpu.memref_slice %arg2[%add3A_75] : memref<327680xi32, #tpu.memory_space<hbm>> -> memref<128xi32, #tpu.memory_space<hbm>>
          %dma_start3A_76 = tpu.memref_slice %arg2[%add3A_75] : memref<327680xi32, #tpu.memory_space<hbm>> -> memref<128xi32, #tpu.memory_space<hbm>>
          tpu.enqueue_dma source(%dma_start3A_76 : memref<128xi32, #tpu.memory_space<hbm>>) target(%arg4 : memref<128xi32, #tpu.memory_space<vmem>>) target_semaphore(%run_scoped3A : memref<!tpu.dma_semaphore, #tpu.memory_space<semaphore_mem>>)
          %dma_wait3A = tpu.memref_slice %arg2[%add3A_75] : memref<327680xi32, #tpu.memory_space<hbm>> -> memref<128xi32, #tpu.memory_space<hbm>>
          %dma_wait3A_77 = tpu.memref_slice %arg2[%add3A_75] : memref<327680xi32, #tpu.memory_space<hbm>> -> memref<128xi32, #tpu.memory_space<hbm>>
          tpu.wait_dma2 semaphore(%run_scoped3A : memref<!tpu.dma_semaphore, #tpu.memory_space<semaphore_mem>>) src(%dma_wait3A_77 : memref<128xi32, #tpu.memory_space<hbm>>) dst(%arg4 : memref<128xi32, #tpu.memory_space<vmem>>)
          tpu.yield
        }) : () -> ()
      } else {
      }
      %add3A_67 = arith.constant 1 : i32
      %add3A_68 = arith.addi %add3A_50, %add3A_67 : i32
      %lt3A_69 = arith.constant 80 : i32
      %lt3A_70 = arith.cmpi slt, %add3A_68, %lt3A_69 : i32
      %convert_element_type3A_71 = arith.extui %lt3A_70 : i1 to i32
      %cond3A_72 = arith.constant 0 : i32
      %cond3A_73 = arith.cmpi ne, %convert_element_type3A_71, %cond3A_72 : i32
      scf.if %cond3A_73 {
        "tpu.region"() ({
          %run_scoped3A = tpu.sem_alloc : memref<!tpu.dma_semaphore, #tpu.memory_space<semaphore_mem>>
          %dma_start3A = arith.constant 0 : i32
          %dma_start3A_74 = arith.constant 0 : i32
          %dma_start3A_75 = tpu.memref_slice %arg8[%dma_start3A, %dma_start3A_74] : memref<10240x16xf32, #tpu.memory_space<vmem_shared>> -> memref<10240x16xf32, #tpu.memory_space<vmem_shared>>
          tpu.enqueue_indirect_dma source(%arg6 : memref<128x16xf32, #tpu.memory_space<vmem>>) target(%dma_start3A_75 : memref<10240x16xf32, #tpu.memory_space<vmem_shared>>) offsets(%arg5 : memref<128xi32, #tpu.memory_space<vmem>>) semaphore(%run_scoped3A : memref<!tpu.dma_semaphore, #tpu.memory_space<semaphore_mem>>) {add = true}
          %dma_wait3A = arith.constant 0 : i32
          %dma_wait3A_76 = arith.constant 0 : i32
          %dma_wait3A_77 = tpu.memref_slice %arg8[%dma_wait3A, %dma_wait3A_76] : memref<10240x16xf32, #tpu.memory_space<vmem_shared>> -> memref<10240x16xf32, #tpu.memory_space<vmem_shared>>
          tpu.wait_indirect_dma semaphore(%run_scoped3A : memref<!tpu.dma_semaphore, #tpu.memory_space<semaphore_mem>>) src(%arg6 : memref<128x16xf32, #tpu.memory_space<vmem>>) dst(%dma_wait3A_77 : memref<10240x16xf32, #tpu.memory_space<vmem_shared>>)
          tpu.yield
        }) : () -> ()
      } else {
      }
    }
    %scan3A_34 = arith.constant 40 : i32
    %barrier3A_35 = arith.constant 0 : index
    tpu.barrier barrier_id(%barrier3A_35)
    %add3A_36 = arith.constant 0 : i32
    %add3A_37 = arith.addi %mul3A_17, %add3A_36 : i32
    "tpu.region"() ({
      %run_scoped3A = tpu.sem_alloc : memref<!tpu.dma_semaphore, #tpu.memory_space<semaphore_mem>>
      %dma_start3A = arith.constant 0 : i32
      %dma_start3A_46 = tpu.memref_slice %arg8[%add3A_37, %dma_start3A] : memref<10240x16xf32, #tpu.memory_space<vmem_shared>> -> memref<128x16xf32, #tpu.memory_space<vmem_shared>>
      %dma_start3A_47 = arith.constant 0 : i32
      %dma_start3A_48 = tpu.memref_slice %arg8[%add3A_37, %dma_start3A_47] : memref<10240x16xf32, #tpu.memory_space<vmem_shared>> -> memref<128x16xf32, #tpu.memory_space<vmem_shared>>
      tpu.enqueue_dma source(%dma_start3A_48 : memref<128x16xf32, #tpu.memory_space<vmem_shared>>) target(%arg7 : memref<128x16xf32, #tpu.memory_space<vmem>>) target_semaphore(%run_scoped3A : memref<!tpu.dma_semaphore, #tpu.memory_space<semaphore_mem>>)
      %dma_wait3A = arith.constant 0 : i32
      %dma_wait3A_49 = tpu.memref_slice %arg8[%add3A_37, %dma_wait3A] : memref<10240x16xf32, #tpu.memory_space<vmem_shared>> -> memref<128x16xf32, #tpu.memory_space<vmem_shared>>
      %dma_wait3A_50 = arith.constant 0 : i32
      %dma_wait3A_51 = tpu.memref_slice %arg8[%add3A_37, %dma_wait3A_50] : memref<10240x16xf32, #tpu.memory_space<vmem_shared>> -> memref<128x16xf32, #tpu.memory_space<vmem_shared>>
      tpu.wait_dma2 semaphore(%run_scoped3A : memref<!tpu.dma_semaphore, #tpu.memory_space<semaphore_mem>>) src(%dma_wait3A_51 : memref<128x16xf32, #tpu.memory_space<vmem_shared>>) dst(%arg7 : memref<128x16xf32, #tpu.memory_space<vmem>>)
      tpu.yield
    }) : () -> ()
    "tpu.region"() ({
      %run_scoped3A = tpu.sem_alloc : memref<!tpu.dma_semaphore, #tpu.memory_space<semaphore_mem>>
      %dma_start3A = arith.constant 0 : i32
      %dma_start3A_46 = tpu.memref_slice %arg3[%arg0, %add3A_37, %dma_start3A] : memref<2x10240x16xf32, #tpu.memory_space<hbm>> -> memref<1x128x16xf32, #tpu.memory_space<hbm>>
      %dma_start3A_47 = tpu.memref_squeeze %dma_start3A_46 : memref<1x128x16xf32, #tpu.memory_space<hbm>> -> memref<128x16xf32, #tpu.memory_space<hbm>>
      %dma_start3A_48 = arith.constant 0 : i32
      %dma_start3A_49 = tpu.memref_slice %arg3[%arg0, %add3A_37, %dma_start3A_48] : memref<2x10240x16xf32, #tpu.memory_space<hbm>> -> memref<1x128x16xf32, #tpu.memory_space<hbm>>
      %dma_start3A_50 = tpu.memref_squeeze %dma_start3A_49 : memref<1x128x16xf32, #tpu.memory_space<hbm>> -> memref<128x16xf32, #tpu.memory_space<hbm>>
      tpu.enqueue_dma source(%arg7 : memref<128x16xf32, #tpu.memory_space<vmem>>) target(%dma_start3A_50 : memref<128x16xf32, #tpu.memory_space<hbm>>) target_semaphore(%run_scoped3A : memref<!tpu.dma_semaphore, #tpu.memory_space<semaphore_mem>>)
      %dma_wait3A = arith.constant 0 : i32
      %dma_wait3A_51 = tpu.memref_slice %arg3[%arg0, %add3A_37, %dma_wait3A] : memref<2x10240x16xf32, #tpu.memory_space<hbm>> -> memref<1x128x16xf32, #tpu.memory_space<hbm>>
      %dma_wait3A_52 = tpu.memref_squeeze %dma_wait3A_51 : memref<1x128x16xf32, #tpu.memory_space<hbm>> -> memref<128x16xf32, #tpu.memory_space<hbm>>
      %dma_wait3A_53 = arith.constant 0 : i32
      %dma_wait3A_54 = tpu.memref_slice %arg3[%arg0, %add3A_37, %dma_wait3A_53] : memref<2x10240x16xf32, #tpu.memory_space<hbm>> -> memref<1x128x16xf32, #tpu.memory_space<hbm>>
      %dma_wait3A_55 = tpu.memref_squeeze %dma_wait3A_54 : memref<1x128x16xf32, #tpu.memory_space<hbm>> -> memref<128x16xf32, #tpu.memory_space<hbm>>
      tpu.wait_dma2 semaphore(%run_scoped3A : memref<!tpu.dma_semaphore, #tpu.memory_space<semaphore_mem>>) src(%arg7 : memref<128x16xf32, #tpu.memory_space<vmem>>) dst(%dma_wait3A_55 : memref<128x16xf32, #tpu.memory_space<hbm>>)
      tpu.yield
    }) : () -> ()
    %add3A_38 = arith.constant 128 : i32
    %add3A_39 = arith.addi %mul3A_17, %add3A_38 : i32
    "tpu.region"() ({
      %run_scoped3A = tpu.sem_alloc : memref<!tpu.dma_semaphore, #tpu.memory_space<semaphore_mem>>
      %dma_start3A = arith.constant 0 : i32
      %dma_start3A_46 = tpu.memref_slice %arg8[%add3A_39, %dma_start3A] : memref<10240x16xf32, #tpu.memory_space<vmem_shared>> -> memref<128x16xf32, #tpu.memory_space<vmem_shared>>
      %dma_start3A_47 = arith.constant 0 : i32
      %dma_start3A_48 = tpu.memref_slice %arg8[%add3A_39, %dma_start3A_47] : memref<10240x16xf32, #tpu.memory_space<vmem_shared>> -> memref<128x16xf32, #tpu.memory_space<vmem_shared>>
      tpu.enqueue_dma source(%dma_start3A_48 : memref<128x16xf32, #tpu.memory_space<vmem_shared>>) target(%arg7 : memref<128x16xf32, #tpu.memory_space<vmem>>) target_semaphore(%run_scoped3A : memref<!tpu.dma_semaphore, #tpu.memory_space<semaphore_mem>>)
      %dma_wait3A = arith.constant 0 : i32
      %dma_wait3A_49 = tpu.memref_slice %arg8[%add3A_39, %dma_wait3A] : memref<10240x16xf32, #tpu.memory_space<vmem_shared>> -> memref<128x16xf32, #tpu.memory_space<vmem_shared>>
      %dma_wait3A_50 = arith.constant 0 : i32
      %dma_wait3A_51 = tpu.memref_slice %arg8[%add3A_39, %dma_wait3A_50] : memref<10240x16xf32, #tpu.memory_space<vmem_shared>> -> memref<128x16xf32, #tpu.memory_space<vmem_shared>>
      tpu.wait_dma2 semaphore(%run_scoped3A : memref<!tpu.dma_semaphore, #tpu.memory_space<semaphore_mem>>) src(%dma_wait3A_51 : memref<128x16xf32, #tpu.memory_space<vmem_shared>>) dst(%arg7 : memref<128x16xf32, #tpu.memory_space<vmem>>)
      tpu.yield
    }) : () -> ()
    "tpu.region"() ({
      %run_scoped3A = tpu.sem_alloc : memref<!tpu.dma_semaphore, #tpu.memory_space<semaphore_mem>>
      %dma_start3A = arith.constant 0 : i32
      %dma_start3A_46 = tpu.memref_slice %arg3[%arg0, %add3A_39, %dma_start3A] : memref<2x10240x16xf32, #tpu.memory_space<hbm>> -> memref<1x128x16xf32, #tpu.memory_space<hbm>>
      %dma_start3A_47 = tpu.memref_squeeze %dma_start3A_46 : memref<1x128x16xf32, #tpu.memory_space<hbm>> -> memref<128x16xf32, #tpu.memory_space<hbm>>
      %dma_start3A_48 = arith.constant 0 : i32
      %dma_start3A_49 = tpu.memref_slice %arg3[%arg0, %add3A_39, %dma_start3A_48] : memref<2x10240x16xf32, #tpu.memory_space<hbm>> -> memref<1x128x16xf32, #tpu.memory_space<hbm>>
      %dma_start3A_50 = tpu.memref_squeeze %dma_start3A_49 : memref<1x128x16xf32, #tpu.memory_space<hbm>> -> memref<128x16xf32, #tpu.memory_space<hbm>>
      tpu.enqueue_dma source(%arg7 : memref<128x16xf32, #tpu.memory_space<vmem>>) target(%dma_start3A_50 : memref<128x16xf32, #tpu.memory_space<hbm>>) target_semaphore(%run_scoped3A : memref<!tpu.dma_semaphore, #tpu.memory_space<semaphore_mem>>)
      %dma_wait3A = arith.constant 0 : i32
      %dma_wait3A_51 = tpu.memref_slice %arg3[%arg0, %add3A_39, %dma_wait3A] : memref<2x10240x16xf32, #tpu.memory_space<hbm>> -> memref<1x128x16xf32, #tpu.memory_space<hbm>>
      %dma_wait3A_52 = tpu.memref_squeeze %dma_wait3A_51 : memref<1x128x16xf32, #tpu.memory_space<hbm>> -> memref<128x16xf32, #tpu.memory_space<hbm>>
      %dma_wait3A_53 = arith.constant 0 : i32
      %dma_wait3A_54 = tpu.memref_slice %arg3[%arg0, %add3A_39, %dma_wait3A_53] : memref<2x10240x16xf32, #tpu.memory_space<hbm>> -> memref<1x128x16xf32, #tpu.memory_space<hbm>>
      %dma_wait3A_55 = tpu.memref_squeeze %dma_wait3A_54 : memref<1x128x16xf32, #tpu.memory_space<hbm>> -> memref<128x16xf32, #tpu.memory_space<hbm>>
      tpu.wait_dma2 semaphore(%run_scoped3A : memref<!tpu.dma_semaphore, #tpu.memory_space<semaphore_mem>>) src(%arg7 : memref<128x16xf32, #tpu.memory_space<vmem>>) dst(%dma_wait3A_55 : memref<128x16xf32, #tpu.memory_space<hbm>>)
      tpu.yield
    }) : () -> ()
    %add3A_40 = arith.constant 256 : i32
    %add3A_41 = arith.addi %mul3A_17, %add3A_40 : i32
    "tpu.region"() ({
      %run_scoped3A = tpu.sem_alloc : memref<!tpu.dma_semaphore, #tpu.memory_space<semaphore_mem>>
      %dma_start3A = arith.constant 0 : i32
      %dma_start3A_46 = tpu.memref_slice %arg8[%add3A_41, %dma_start3A] : memref<10240x16xf32, #tpu.memory_space<vmem_shared>> -> memref<128x16xf32, #tpu.memory_space<vmem_shared>>
      %dma_start3A_47 = arith.constant 0 : i32
      %dma_start3A_48 = tpu.memref_slice %arg8[%add3A_41, %dma_start3A_47] : memref<10240x16xf32, #tpu.memory_space<vmem_shared>> -> memref<128x16xf32, #tpu.memory_space<vmem_shared>>
      tpu.enqueue_dma source(%dma_start3A_48 : memref<128x16xf32, #tpu.memory_space<vmem_shared>>) target(%arg7 : memref<128x16xf32, #tpu.memory_space<vmem>>) target_semaphore(%run_scoped3A : memref<!tpu.dma_semaphore, #tpu.memory_space<semaphore_mem>>)
      %dma_wait3A = arith.constant 0 : i32
      %dma_wait3A_49 = tpu.memref_slice %arg8[%add3A_41, %dma_wait3A] : memref<10240x16xf32, #tpu.memory_space<vmem_shared>> -> memref<128x16xf32, #tpu.memory_space<vmem_shared>>
      %dma_wait3A_50 = arith.constant 0 : i32
      %dma_wait3A_51 = tpu.memref_slice %arg8[%add3A_41, %dma_wait3A_50] : memref<10240x16xf32, #tpu.memory_space<vmem_shared>> -> memref<128x16xf32, #tpu.memory_space<vmem_shared>>
      tpu.wait_dma2 semaphore(%run_scoped3A : memref<!tpu.dma_semaphore, #tpu.memory_space<semaphore_mem>>) src(%dma_wait3A_51 : memref<128x16xf32, #tpu.memory_space<vmem_shared>>) dst(%arg7 : memref<128x16xf32, #tpu.memory_space<vmem>>)
      tpu.yield
    }) : () -> ()
    "tpu.region"() ({
      %run_scoped3A = tpu.sem_alloc : memref<!tpu.dma_semaphore, #tpu.memory_space<semaphore_mem>>
      %dma_start3A = arith.constant 0 : i32
      %dma_start3A_46 = tpu.memref_slice %arg3[%arg0, %add3A_41, %dma_start3A] : memref<2x10240x16xf32, #tpu.memory_space<hbm>> -> memref<1x128x16xf32, #tpu.memory_space<hbm>>
      %dma_start3A_47 = tpu.memref_squeeze %dma_start3A_46 : memref<1x128x16xf32, #tpu.memory_space<hbm>> -> memref<128x16xf32, #tpu.memory_space<hbm>>
      %dma_start3A_48 = arith.constant 0 : i32
      %dma_start3A_49 = tpu.memref_slice %arg3[%arg0, %add3A_41, %dma_start3A_48] : memref<2x10240x16xf32, #tpu.memory_space<hbm>> -> memref<1x128x16xf32, #tpu.memory_space<hbm>>
      %dma_start3A_50 = tpu.memref_squeeze %dma_start3A_49 : memref<1x128x16xf32, #tpu.memory_space<hbm>> -> memref<128x16xf32, #tpu.memory_space<hbm>>
      tpu.enqueue_dma source(%arg7 : memref<128x16xf32, #tpu.memory_space<vmem>>) target(%dma_start3A_50 : memref<128x16xf32, #tpu.memory_space<hbm>>) target_semaphore(%run_scoped3A : memref<!tpu.dma_semaphore, #tpu.memory_space<semaphore_mem>>)
      %dma_wait3A = arith.constant 0 : i32
      %dma_wait3A_51 = tpu.memref_slice %arg3[%arg0, %add3A_41, %dma_wait3A] : memref<2x10240x16xf32, #tpu.memory_space<hbm>> -> memref<1x128x16xf32, #tpu.memory_space<hbm>>
      %dma_wait3A_52 = tpu.memref_squeeze %dma_wait3A_51 : memref<1x128x16xf32, #tpu.memory_space<hbm>> -> memref<128x16xf32, #tpu.memory_space<hbm>>
      %dma_wait3A_53 = arith.constant 0 : i32
      %dma_wait3A_54 = tpu.memref_slice %arg3[%arg0, %add3A_41, %dma_wait3A_53] : memref<2x10240x16xf32, #tpu.memory_space<hbm>> -> memref<1x128x16xf32, #tpu.memory_space<hbm>>
      %dma_wait3A_55 = tpu.memref_squeeze %dma_wait3A_54 : memref<1x128x16xf32, #tpu.memory_space<hbm>> -> memref<128x16xf32, #tpu.memory_space<hbm>>
      tpu.wait_dma2 semaphore(%run_scoped3A : memref<!tpu.dma_semaphore, #tpu.memory_space<semaphore_mem>>) src(%arg7 : memref<128x16xf32, #tpu.memory_space<vmem>>) dst(%dma_wait3A_55 : memref<128x16xf32, #tpu.memory_space<hbm>>)
      tpu.yield
    }) : () -> ()
    %add3A_42 = arith.constant 384 : i32
    %add3A_43 = arith.addi %mul3A_17, %add3A_42 : i32
    "tpu.region"() ({
      %run_scoped3A = tpu.sem_alloc : memref<!tpu.dma_semaphore, #tpu.memory_space<semaphore_mem>>
      %dma_start3A = arith.constant 0 : i32
      %dma_start3A_46 = tpu.memref_slice %arg8[%add3A_43, %dma_start3A] : memref<10240x16xf32, #tpu.memory_space<vmem_shared>> -> memref<128x16xf32, #tpu.memory_space<vmem_shared>>
      %dma_start3A_47 = arith.constant 0 : i32
      %dma_start3A_48 = tpu.memref_slice %arg8[%add3A_43, %dma_start3A_47] : memref<10240x16xf32, #tpu.memory_space<vmem_shared>> -> memref<128x16xf32, #tpu.memory_space<vmem_shared>>
      tpu.enqueue_dma source(%dma_start3A_48 : memref<128x16xf32, #tpu.memory_space<vmem_shared>>) target(%arg7 : memref<128x16xf32, #tpu.memory_space<vmem>>) target_semaphore(%run_scoped3A : memref<!tpu.dma_semaphore, #tpu.memory_space<semaphore_mem>>)
      %dma_wait3A = arith.constant 0 : i32
      %dma_wait3A_49 = tpu.memref_slice %arg8[%add3A_43, %dma_wait3A] : memref<10240x16xf32, #tpu.memory_space<vmem_shared>> -> memref<128x16xf32, #tpu.memory_space<vmem_shared>>
      %dma_wait3A_50 = arith.constant 0 : i32
      %dma_wait3A_51 = tpu.memref_slice %arg8[%add3A_43, %dma_wait3A_50] : memref<10240x16xf32, #tpu.memory_space<vmem_shared>> -> memref<128x16xf32, #tpu.memory_space<vmem_shared>>
      tpu.wait_dma2 semaphore(%run_scoped3A : memref<!tpu.dma_semaphore, #tpu.memory_space<semaphore_mem>>) src(%dma_wait3A_51 : memref<128x16xf32, #tpu.memory_space<vmem_shared>>) dst(%arg7 : memref<128x16xf32, #tpu.memory_space<vmem>>)
      tpu.yield
    }) : () -> ()
    "tpu.region"() ({
      %run_scoped3A = tpu.sem_alloc : memref<!tpu.dma_semaphore, #tpu.memory_space<semaphore_mem>>
      %dma_start3A = arith.constant 0 : i32
      %dma_start3A_46 = tpu.memref_slice %arg3[%arg0, %add3A_43, %dma_start3A] : memref<2x10240x16xf32, #tpu.memory_space<hbm>> -> memref<1x128x16xf32, #tpu.memory_space<hbm>>
      %dma_start3A_47 = tpu.memref_squeeze %dma_start3A_46 : memref<1x128x16xf32, #tpu.memory_space<hbm>> -> memref<128x16xf32, #tpu.memory_space<hbm>>
      %dma_start3A_48 = arith.constant 0 : i32
      %dma_start3A_49 = tpu.memref_slice %arg3[%arg0, %add3A_43, %dma_start3A_48] : memref<2x10240x16xf32, #tpu.memory_space<hbm>> -> memref<1x128x16xf32, #tpu.memory_space<hbm>>
      %dma_start3A_50 = tpu.memref_squeeze %dma_start3A_49 : memref<1x128x16xf32, #tpu.memory_space<hbm>> -> memref<128x16xf32, #tpu.memory_space<hbm>>
      tpu.enqueue_dma source(%arg7 : memref<128x16xf32, #tpu.memory_space<vmem>>) target(%dma_start3A_50 : memref<128x16xf32, #tpu.memory_space<hbm>>) target_semaphore(%run_scoped3A : memref<!tpu.dma_semaphore, #tpu.memory_space<semaphore_mem>>)
      %dma_wait3A = arith.constant 0 : i32
      %dma_wait3A_51 = tpu.memref_slice %arg3[%arg0, %add3A_43, %dma_wait3A] : memref<2x10240x16xf32, #tpu.memory_space<hbm>> -> memref<1x128x16xf32, #tpu.memory_space<hbm>>
      %dma_wait3A_52 = tpu.memref_squeeze %dma_wait3A_51 : memref<1x128x16xf32, #tpu.memory_space<hbm>> -> memref<128x16xf32, #tpu.memory_space<hbm>>
      %dma_wait3A_53 = arith.constant 0 : i32
      %dma_wait3A_54 = tpu.memref_slice %arg3[%arg0, %add3A_43, %dma_wait3A_53] : memref<2x10240x16xf32, #tpu.memory_space<hbm>> -> memref<1x128x16xf32, #tpu.memory_space<hbm>>
      %dma_wait3A_55 = tpu.memref_squeeze %dma_wait3A_54 : memref<1x128x16xf32, #tpu.memory_space<hbm>> -> memref<128x16xf32, #tpu.memory_space<hbm>>
      tpu.wait_dma2 semaphore(%run_scoped3A : memref<!tpu.dma_semaphore, #tpu.memory_space<semaphore_mem>>) src(%arg7 : memref<128x16xf32, #tpu.memory_space<vmem>>) dst(%dma_wait3A_55 : memref<128x16xf32, #tpu.memory_space<hbm>>)
      tpu.yield
    }) : () -> ()
    %add3A_44 = arith.constant 512 : i32
    %add3A_45 = arith.addi %mul3A_17, %add3A_44 : i32
    "tpu.region"() ({
      %run_scoped3A = tpu.sem_alloc : memref<!tpu.dma_semaphore, #tpu.memory_space<semaphore_mem>>
      %dma_start3A = arith.constant 0 : i32
      %dma_start3A_46 = tpu.memref_slice %arg8[%add3A_45, %dma_start3A] : memref<10240x16xf32, #tpu.memory_space<vmem_shared>> -> memref<128x16xf32, #tpu.memory_space<vmem_shared>>
      %dma_start3A_47 = arith.constant 0 : i32
      %dma_start3A_48 = tpu.memref_slice %arg8[%add3A_45, %dma_start3A_47] : memref<10240x16xf32, #tpu.memory_space<vmem_shared>> -> memref<128x16xf32, #tpu.memory_space<vmem_shared>>
      tpu.enqueue_dma source(%dma_start3A_48 : memref<128x16xf32, #tpu.memory_space<vmem_shared>>) target(%arg7 : memref<128x16xf32, #tpu.memory_space<vmem>>) target_semaphore(%run_scoped3A : memref<!tpu.dma_semaphore, #tpu.memory_space<semaphore_mem>>)
      %dma_wait3A = arith.constant 0 : i32
      %dma_wait3A_49 = tpu.memref_slice %arg8[%add3A_45, %dma_wait3A] : memref<10240x16xf32, #tpu.memory_space<vmem_shared>> -> memref<128x16xf32, #tpu.memory_space<vmem_shared>>
      %dma_wait3A_50 = arith.constant 0 : i32
      %dma_wait3A_51 = tpu.memref_slice %arg8[%add3A_45, %dma_wait3A_50] : memref<10240x16xf32, #tpu.memory_space<vmem_shared>> -> memref<128x16xf32, #tpu.memory_space<vmem_shared>>
      tpu.wait_dma2 semaphore(%run_scoped3A : memref<!tpu.dma_semaphore, #tpu.memory_space<semaphore_mem>>) src(%dma_wait3A_51 : memref<128x16xf32, #tpu.memory_space<vmem_shared>>) dst(%arg7 : memref<128x16xf32, #tpu.memory_space<vmem>>)
      tpu.yield
    }) : () -> ()
    "tpu.region"() ({
      %run_scoped3A = tpu.sem_alloc : memref<!tpu.dma_semaphore, #tpu.memory_space<semaphore_mem>>
      %dma_start3A = arith.constant 0 : i32
      %dma_start3A_46 = tpu.memref_slice %arg3[%arg0, %add3A_45, %dma_start3A] : memref<2x10240x16xf32, #tpu.memory_space<hbm>> -> memref<1x128x16xf32, #tpu.memory_space<hbm>>
      %dma_start3A_47 = tpu.memref_squeeze %dma_start3A_46 : memref<1x128x16xf32, #tpu.memory_space<hbm>> -> memref<128x16xf32, #tpu.memory_space<hbm>>
      %dma_start3A_48 = arith.constant 0 : i32
      %dma_start3A_49 = tpu.memref_slice %arg3[%arg0, %add3A_45, %dma_start3A_48] : memref<2x10240x16xf32, #tpu.memory_space<hbm>> -> memref<1x128x16xf32, #tpu.memory_space<hbm>>
      %dma_start3A_50 = tpu.memref_squeeze %dma_start3A_49 : memref<1x128x16xf32, #tpu.memory_space<hbm>> -> memref<128x16xf32, #tpu.memory_space<hbm>>
      tpu.enqueue_dma source(%arg7 : memref<128x16xf32, #tpu.memory_space<vmem>>) target(%dma_start3A_50 : memref<128x16xf32, #tpu.memory_space<hbm>>) target_semaphore(%run_scoped3A : memref<!tpu.dma_semaphore, #tpu.memory_space<semaphore_mem>>)
      %dma_wait3A = arith.constant 0 : i32
      %dma_wait3A_51 = tpu.memref_slice %arg3[%arg0, %add3A_45, %dma_wait3A] : memref<2x10240x16xf32, #tpu.memory_space<hbm>> -> memref<1x128x16xf32, #tpu.memory_space<hbm>>
      %dma_wait3A_52 = tpu.memref_squeeze %dma_wait3A_51 : memref<1x128x16xf32, #tpu.memory_space<hbm>> -> memref<128x16xf32, #tpu.memory_space<hbm>>
      %dma_wait3A_53 = arith.constant 0 : i32
      %dma_wait3A_54 = tpu.memref_slice %arg3[%arg0, %add3A_45, %dma_wait3A_53] : memref<2x10240x16xf32, #tpu.memory_space<hbm>> -> memref<1x128x16xf32, #tpu.memory_space<hbm>>
      %dma_wait3A_55 = tpu.memref_squeeze %dma_wait3A_54 : memref<1x128x16xf32, #tpu.memory_space<hbm>> -> memref<128x16xf32, #tpu.memory_space<hbm>>
      tpu.wait_dma2 semaphore(%run_scoped3A : memref<!tpu.dma_semaphore, #tpu.memory_space<semaphore_mem>>) src(%arg7 : memref<128x16xf32, #tpu.memory_space<vmem>>) dst(%dma_wait3A_55 : memref<128x16xf32, #tpu.memory_space<hbm>>)
      tpu.yield
    }) : () -> ()
    return
  }
}

module attributes {stable_mosaic.version = 14 : i64} {
  func.func @_prep_body(%arg0: memref<10016x128xf32, #tpu.memory_space<vmem>>, %arg1: memref<128x128xf32, #tpu.memory_space<vmem>>, %arg2: memref<2x10240x16xf32, #tpu.memory_space<vmem>>, %arg3: memref<10016x128xf32, #tpu.memory_space<vmem>>) attributes {dimension_semantics = [], scalar_prefetch = 0 : i64, scratch_operands = 0 : i64, tpu.core_type = #tpu.core_type<tc>} {
    %get3A = arith.constant 0 : index
    %get3A_0 = arith.constant 0 : index
    %get3A_1 = arith.constant 0 : index
    %get3A_2 = vector.load %arg2[%get3A, %get3A_0, %get3A_1] : memref<2x10240x16xf32, #tpu.memory_space<vmem>>, vector<1x10240x16xf32>
    %get3A_3 = vector.shape_cast %get3A_2 : vector<1x10240x16xf32> to vector<10240x16xf32>
    %get3A_4 = arith.constant 1 : index
    %get3A_5 = arith.constant 0 : index
    %get3A_6 = arith.constant 0 : index
    %get3A_7 = vector.load %arg2[%get3A_4, %get3A_5, %get3A_6] : memref<2x10240x16xf32, #tpu.memory_space<vmem>>, vector<1x10240x16xf32>
    %get3A_8 = vector.shape_cast %get3A_7 : vector<1x10240x16xf32> to vector<10240x16xf32>
    %add3A = arith.addf %get3A_3, %get3A_8 : vector<10240x16xf32>
    %slice3A = vector.extract_strided_slice %add3A {offsets = [0, 0], sizes = [10016, 16], strides = [1, 1]} : vector<10240x16xf32> to vector<10016x16xf32>
    %reduce_sum3A = arith.constant dense<0.000000e+00> : vector<10016xf32>
    %reduce_sum3A_9 = vector.multi_reduction <add>, %slice3A, %reduce_sum3A [1] : vector<10016x16xf32> to vector<10016xf32>
    %add3A_10 = arith.constant 1.000000e+00 : f32
    %add3A_11 = vector.broadcast %add3A_10 : f32 to vector<10016xf32>
    %add3A_12 = arith.addf %reduce_sum3A_9, %add3A_11 : vector<10016xf32>
    %rsqrt3A = math.rsqrt %add3A_12 : vector<10016xf32>
    %get3A_13 = arith.constant 0 : index
    %get3A_14 = arith.constant 0 : index
    %get3A_15 = vector.load %arg0[%get3A_13, %get3A_14] : memref<10016x128xf32, #tpu.memory_space<vmem>>, vector<10016x128xf32>
    %get3A_16 = arith.constant 0 : index
    %get3A_17 = arith.constant 0 : index
    %get3A_18 = vector.load %arg1[%get3A_16, %get3A_17] : memref<128x128xf32, #tpu.memory_space<vmem>>, vector<128x128xf32>
    %dot_general3A = arith.constant dense<0.000000e+00> : vector<10016x128xf32>
    %dot_general3A_19 = tpu.matmul %get3A_15, %get3A_18, %dot_general3A {dimension_numbers = #tpu.dot_dimension_numbers<[1], [0], [0], [1], [0, 0, 1, 1], [], []>, transpose_lhs_hint = false} : vector<10016x128xf32>, vector<128x128xf32>, vector<10016x128xf32> -> vector<10016x128xf32>
    %broadcast_in_dim3A = vector.shape_cast %rsqrt3A : vector<10016xf32> to vector<10016x1xf32>
    %mul3A = vector.broadcast %broadcast_in_dim3A : vector<10016x1xf32> to vector<10016x128xf32>
    %mul3A_20 = arith.mulf %dot_general3A_19, %mul3A : vector<10016x128xf32>
    %swap3A = arith.constant 0 : index
    %swap3A_21 = arith.constant 0 : index
    %swap3A_22 = vector.load %arg3[%swap3A, %swap3A_21] : memref<10016x128xf32, #tpu.memory_space<vmem>>, vector<10016x128xf32>
    tpu.vector_store %arg3[%swap3A, %swap3A_21], %mul3A_20 {strides = array<i32>} : memref<10016x128xf32, #tpu.memory_space<vmem>>, vector<10016x128xf32>,
    return
  }
}

module attributes {stable_mosaic.version = 14 : i64} {
  func.func @_finish_body(%arg0: memref<2x10240x128xf32, #tpu.memory_space<vmem>>, %arg1: memref<10016x128xf32, #tpu.memory_space<vmem>>, %arg2: memref<2x10240x16xf32, #tpu.memory_space<vmem>>, %arg3: memref<128xf32, #tpu.memory_space<vmem>>, %arg4: memref<10016xi32, #tpu.memory_space<vmem>>, %arg5: memref<128x128xf32, #tpu.memory_space<vmem>>, %arg6: memref<128xf32, #tpu.memory_space<vmem>>, %arg7: memref<64x128xf32, #tpu.memory_space<vmem>>) attributes {dimension_semantics = [], scalar_prefetch = 0 : i64, scratch_operands = 0 : i64, tpu.core_type = #tpu.core_type<tc>} {
    %get3A = arith.constant 0 : index
    %get3A_0 = arith.constant 0 : index
    %get3A_1 = arith.constant 0 : index
    %get3A_2 = vector.load %arg0[%get3A, %get3A_0, %get3A_1] : memref<2x10240x128xf32, #tpu.memory_space<vmem>>, vector<1x10016x128xf32>
    %get3A_3 = vector.shape_cast %get3A_2 : vector<1x10016x128xf32> to vector<10016x128xf32>
    %get3A_4 = arith.constant 1 : index
    %get3A_5 = arith.constant 0 : index
    %get3A_6 = arith.constant 0 : index
    %get3A_7 = vector.load %arg0[%get3A_4, %get3A_5, %get3A_6] : memref<2x10240x128xf32, #tpu.memory_space<vmem>>, vector<1x10016x128xf32>
    %get3A_8 = vector.shape_cast %get3A_7 : vector<1x10016x128xf32> to vector<10016x128xf32>
    %add3A = arith.addf %get3A_3, %get3A_8 : vector<10016x128xf32>
    %get3A_9 = arith.constant 0 : index
    %get3A_10 = arith.constant 0 : index
    %get3A_11 = arith.constant 0 : index
    %get3A_12 = vector.load %arg2[%get3A_9, %get3A_10, %get3A_11] : memref<2x10240x16xf32, #tpu.memory_space<vmem>>, vector<1x10240x16xf32>
    %get3A_13 = vector.shape_cast %get3A_12 : vector<1x10240x16xf32> to vector<10240x16xf32>
    %get3A_14 = arith.constant 1 : index
    %get3A_15 = arith.constant 0 : index
    %get3A_16 = arith.constant 0 : index
    %get3A_17 = vector.load %arg2[%get3A_14, %get3A_15, %get3A_16] : memref<2x10240x16xf32, #tpu.memory_space<vmem>>, vector<1x10240x16xf32>
    %get3A_18 = vector.shape_cast %get3A_17 : vector<1x10240x16xf32> to vector<10240x16xf32>
    %add3A_19 = arith.addf %get3A_13, %get3A_18 : vector<10240x16xf32>
    %slice3A = vector.extract_strided_slice %add3A_19 {offsets = [0, 0], sizes = [10016, 16], strides = [1, 1]} : vector<10240x16xf32> to vector<10016x16xf32>
    %reduce_sum3A = arith.constant dense<0.000000e+00> : vector<10016xf32>
    %reduce_sum3A_20 = vector.multi_reduction <add>, %slice3A, %reduce_sum3A [1] : vector<10016x16xf32> to vector<10016xf32>
    %add3A_21 = arith.constant 1.000000e+00 : f32
    %add3A_22 = vector.broadcast %add3A_21 : f32 to vector<10016xf32>
    %add3A_23 = arith.addf %reduce_sum3A_20, %add3A_22 : vector<10016xf32>
    %rsqrt3A = math.rsqrt %add3A_23 : vector<10016xf32>
    %broadcast_in_dim3A = vector.shape_cast %rsqrt3A : vector<10016xf32> to vector<10016x1xf32>
    %get3A_24 = arith.constant 0 : index
    %get3A_25 = arith.constant 0 : index
    %get3A_26 = vector.load %arg1[%get3A_24, %get3A_25] : memref<10016x128xf32, #tpu.memory_space<vmem>>, vector<10016x128xf32>
    %add3A_27 = arith.addf %add3A, %get3A_26 : vector<10016x128xf32>
    %mul3A = vector.broadcast %broadcast_in_dim3A : vector<10016x1xf32> to vector<10016x128xf32>
    %mul3A_28 = arith.mulf %mul3A, %add3A_27 : vector<10016x128xf32>
    %get3A_29 = arith.constant 0 : index
    %get3A_30 = vector.load %arg3[%get3A_29] : memref<128xf32, #tpu.memory_space<vmem>>, vector<128xf32>
    %broadcast_in_dim3A_31 = vector.shape_cast %get3A_30 : vector<128xf32> to vector<1x128xf32>
    %add3A_32 = vector.broadcast %broadcast_in_dim3A_31 : vector<1x128xf32> to vector<10016x128xf32>
    %add3A_33 = arith.addf %mul3A_28, %add3A_32 : vector<10016x128xf32>
    %max3A = arith.constant 0.000000e+00 : f32
    %max3A_34 = vector.broadcast %max3A : f32 to vector<10016x128xf32>
    %max3A_35 = arith.maximumf %add3A_33, %max3A_34 : vector<10016x128xf32>
    %get3A_36 = arith.constant 0 : index
    %get3A_37 = vector.load %arg4[%get3A_36] : memref<10016xi32, #tpu.memory_space<vmem>>, vector<10016xi32>
    %iota3A = tpu.iota {dimensions = array<i32: 0>} : vector<64x10016xi32>
    %broadcast_in_dim3A_38 = vector.shape_cast %get3A_37 : vector<10016xi32> to vector<1x10016xi32>
    %eq3A = vector.broadcast %broadcast_in_dim3A_38 : vector<1x10016xi32> to vector<64x10016xi32>
    %eq3A_39 = arith.cmpi eq, %iota3A, %eq3A : vector<64x10016xi32>
    %convert_element_type3A = arith.extui %eq3A_39 : vector<64x10016xi1> to vector<64x10016xi32>
    %convert_element_type3A_40 = arith.sitofp %convert_element_type3A : vector<64x10016xi32> to vector<64x10016xf32>
    %dot_general3A = arith.constant dense<0.000000e+00> : vector<64x128xf32>
    %dot_general3A_41 = tpu.matmul %convert_element_type3A_40, %max3A_35, %dot_general3A {dimension_numbers = #tpu.dot_dimension_numbers<[1], [0], [0], [1], [0, 0, 1, 1], [], []>, transpose_lhs_hint = false} : vector<64x10016xf32>, vector<10016x128xf32>, vector<64x128xf32> -> vector<64x128xf32>
    %reduce_sum3A_42 = arith.constant dense<0.000000e+00> : vector<64xf32>
    %reduce_sum3A_43 = vector.multi_reduction <add>, %convert_element_type3A_40, %reduce_sum3A_42 [1] : vector<64x10016xf32> to vector<64xf32>
    %max3A_44 = arith.constant 1.000000e+00 : f32
    %max3A_45 = vector.broadcast %max3A_44 : f32 to vector<64xf32>
    %max3A_46 = arith.maximumf %reduce_sum3A_43, %max3A_45 : vector<64xf32>
    %broadcast_in_dim3A_47 = vector.shape_cast %max3A_46 : vector<64xf32> to vector<64x1xf32>
    %div3A = vector.broadcast %broadcast_in_dim3A_47 : vector<64x1xf32> to vector<64x128xf32>
    %div3A_48 = arith.divf %dot_general3A_41, %div3A : vector<64x128xf32>
    %get3A_49 = arith.constant 0 : index
    %get3A_50 = arith.constant 0 : index
    %get3A_51 = vector.load %arg5[%get3A_49, %get3A_50] : memref<128x128xf32, #tpu.memory_space<vmem>>, vector<128x128xf32>
    %dot_general3A_52 = arith.constant dense<0.000000e+00> : vector<64x128xf32>
    %dot_general3A_53 = tpu.matmul %div3A_48, %get3A_51, %dot_general3A_52 {dimension_numbers = #tpu.dot_dimension_numbers<[1], [0], [0], [1], [0, 0, 1, 1], [], []>, transpose_lhs_hint = false} : vector<64x128xf32>, vector<128x128xf32>, vector<64x128xf32> -> vector<64x128xf32>
    %get3A_54 = arith.constant 0 : index
    %get3A_55 = vector.load %arg6[%get3A_54] : memref<128xf32, #tpu.memory_space<vmem>>, vector<128xf32>
    %broadcast_in_dim3A_56 = vector.shape_cast %get3A_55 : vector<128xf32> to vector<1x128xf32>
    %add3A_57 = vector.broadcast %broadcast_in_dim3A_56 : vector<1x128xf32> to vector<64x128xf32>
    %add3A_58 = arith.addf %dot_general3A_53, %add3A_57 : vector<64x128xf32>
    %swap3A = arith.constant 0 : index
    %swap3A_59 = arith.constant 0 : index
    %swap3A_60 = vector.load %arg7[%swap3A, %swap3A_59] : memref<64x128xf32, #tpu.memory_space<vmem>>, vector<64x128xf32>
    tpu.vector_store %arg7[%swap3A, %swap3A_59], %add3A_58 {strides = array<i32>} : memref<64x128xf32, #tpu.memory_space<vmem>>, vector<64x128xf32>,
    return
  }
}

</mosaic_0001>

<sc_bundles>
// kernel: kernel.6.cloned.1.call-start
scs
__scs_entry_jumppad:
0x0: {  	(pc) =	sbr.rel $0x88, $3  }
0x1: {  	(tag) =	ssettag $0x0;
	lr =	simm.s32 $0x1  }
0x2: {  	[smem:$0x3F9A] =	sst lr;
	_ =	strace $0xD0000000  }
0x3: {  	_ = 	snop  }
0x4: {  	_ = 	snop  }
0x5: {  	_ = 	snop  }
0x6: {  	_ = 	snop  }
0x7: {  	_ = 	snop  }
__scs_overlays_trampoline_lowered:
0x8: {  	[smem:$0x3FA9] =	sst s0  }
0x9: {  	[smem:$0x3FAA] =	sst s1  }
0xa: {  	[smem:$0x3FAB] =	sst s2  }
0xb: {  	[smem:$0x3FAC] =	sst s3  }
0xc: {  	[smem:$0x3FAD] =	sst s4  }
0xd: {  	[smem:$0x3FAE] =	sst s5  }
0xe: {  	[smem:$0x3FAF] =	sst s6  }
0xf: {  	[smem:$0x3FB0] =	sst s7  }
0x10: {  	[smem:$0x3FB1] =	sst s8  }
0x11: {  	[smem:$0x3FB2] =	sst s9;
	s0 =	simm.s32 @!p0 $0x0  }
0x12: {  	s1 =	sld [smem:$0x3F98];
	s0 =	simm.s32 @p0 $0x1  }
0x13: {  	[smem:$0x3FB3] =	sst s0;
	s0 =	simm.s32 @!p1 $0x0  }
0x14: {  	s2 =	sld [smem:$0x3F97];
	s0 =	simm.s32 @p1 $0x1  }
0x15: {  	[smem:$0x3FB4] =	sst s0;
	s0 =	simm.s32 @!p2 $0x0  }
0x16: {  	s3 =	sld [smem:$0x3FDB];
	s0 =	simm.s32 @p2 $0x1  }
0x17: {  	s4 =	simm.s32 $0x1BF5;
	[smem:$0x3FB6] =	sst s0  }
0x18: {  	s0 =	sld [smem:$0x3F99];
	_ =	swait.ge [sflag:s4], $0x0  }
0x19: {  	s7 =	sld [smem:$0x3F9A]  }
0x1a: {  	s8 =	sadd.s32 $0xFFFFE003, lr  }
0x1b: {  	s9 =	sadd.s32 $0xFFFFFEF7, lr;
	s5 =	simm.s32 $0xFFFFFFFF;
	p2 =	slt.u32 s8, $0xFFFFF086  }
0x1c: {  	p1 =	slt.u32 s9, $0xF7A;
	s5 =	simm.s32 @!p2 $0x0  }
0x1d: {  	s5 =	simm.s32 @p1 $0x1;
	p0 =	seq.s32 s7, s2  }
0x1e: {  	s7 =	smul.u32 @!p0 $0xF7A, s2;
	p2 =	seq.s32 @!p0 s5, $0x0  }
0x1f: {  	s9 =	smul.u32 $0xF7A, s1;
	s8 =	simm.s32 @!p0 $0x1BF5;
	p2 =	por !p2, p0  }
0x20: {  	[sflag:s8] =	ssyncset.s32 @!p0 $0xFFFFF086;
	s6 =	sadd.s32 @!p0 s3, s7;
	s7 =	simm.s32 @!p0 $0x108  }
0x21: {  	s3 =	sadd.s32 s3, s9;
	s6 =	sadd.s32 @!p0 $0x88, s6;
	s7 =	simm.s32 @p2 $0x1082  }
0x22: {  	[simem:s7], [sflag:s8] =	dma.local @!p0 [hbm:s6], $0xF7A  }
0x23: {  	s9 =	sor.u32 $0xD0000000, s2;
	s6 =	simm.s32 $0x108;
	_ =	swait.ge @!p0 [sflag:s8], $0x0  }
0x24: {  	s3 =	sadd.s32 $0x88, s3;
	s6 =	simm.s32 @!p1 $0x1082;
	[sflag:s4] =	ssyncset.s32 $0xFFFFF086  }
0x25: {  	[simem:s6], [sflag:s4] =	dma.local [hbm:s3], $0xF7A  }
0x26: {  	[smem:$0x3F9A] =	sst s1;
	(tag) =	ssettag s2;
	_ =	strace s9  }
0x27: {  	s1 =	sld [smem:$0x3FAA]  }
0x28: {  	s2 =	sld [smem:$0x3FAB]  }
0x29: {  	s4 =	sld [smem:$0x3FAD]  }
0x2a: {  	p0 =	seq.s32 s5, $0x0;
	s5 =	sld [smem:$0x3FAE]  }
0x2b: {  	s6 =	sld [smem:$0x3FAF]  }
0x2c: {  	s7 =	sld [smem:$0x3FB0]  }
0x2d: {  	s3 =	simm.s32 $0x108;
	s8 =	sld [smem:$0x3FB1]  }
0x2e: {  	s3 =	simm.s32 @!p0 $0x1082;
	s9 =	sld [smem:$0x3FB2]  }
0x2f: {  	lr =	sadd.s32 s0, s3;
	s0 =	sld [smem:$0x3FA9]  }
0x30: {  	s3 =	sld [smem:$0x3FAC]  }
0x31: {  	[smem:$0x3FB5] =	sst s10  }
0x32: {  	s10 =	sld [smem:$0x3FB3];
	_ =	sdelay $0x3  }
0x33: {  	p0 =	seq.s32 s10, $0x1;
	s10 =	sld [smem:$0x3FB5];
	_ =	sdelay $0x3  }
0x34: {  	[smem:$0x3FB5] =	sst s10  }
0x35: {  	s10 =	sld [smem:$0x3FB4];
	_ =	sdelay $0x3  }
0x36: {  	p1 =	seq.s32 s10, $0x1;
	s10 =	sld [smem:$0x3FB5];
	_ =	sdelay $0x3  }
0x37: {  	[smem:$0x3FB5] =	sst s10  }
0x38: {  	s10 =	sld [smem:$0x3FB6]  }
0x39: {  	_ = 	snop;
	(pc) =	sbr.ind lr, $3  }
0x3a: {  	_ = 	snop  }
0x3b: {  	_ = 	snop  }
0x3c: {  	p2 =	seq.s32 s10, $0x1;
	s10 =	sld [smem:$0x3FB5]  }
0x3d: {  	_ =	shalt  }
0x3e: {  	_ =	shalt  }
0x3f: {  	_ =	shalt  }
0x40: {  	_ =	shalt  }
0x41: {  	_ =	shalt  }
0x42: {  	_ =	shalt  }
0x43: {  	_ =	shalt  }
0x44: {  	_ =	shalt  }
0x45: {  	_ =	shalt  }
0x46: {  	_ =	shalt  }
0x47: {  	_ =	shalt  }
0x48: {  	_ =	shalt  }
0x49: {  	_ =	shalt  }
0x4a: {  	_ =	shalt  }
0x4b: {  	_ =	shalt  }
0x4c: {  	_ =	shalt  }
0x4d: {  	_ =	shalt  }
0x4e: {  	_ =	shalt  }
0x4f: {  	_ =	shalt  }
0x50: {  	_ =	shalt  }
0x51: {  	_ =	shalt  }
0x52: {  	_ =	shalt  }
0x53: {  	_ =	shalt  }
0x54: {  	_ =	shalt  }
0x55: {  	_ =	shalt  }
0x56: {  	_ =	shalt  }
0x57: {  	_ =	shalt  }
0x58: {  	_ =	shalt  }
0x59: {  	_ =	shalt  }
0x5a: {  	_ =	shalt  }
0x5b: {  	_ =	shalt  }
0x5c: {  	_ =	shalt  }
0x5d: {  	_ =	shalt  }
0x5e: {  	_ =	shalt  }
0x5f: {  	_ =	shalt  }
0x60: {  	_ =	shalt  }
0x61: {  	_ =	shalt  }
0x62: {  	_ =	shalt  }
0x63: {  	_ =	shalt  }
0x64: {  	_ =	shalt  }
0x65: {  	_ =	shalt  }
0x66: {  	_ =	shalt  }
0x67: {  	_ =	shalt  }
0x68: {  	_ =	shalt  }
0x69: {  	_ =	shalt  }
0x6a: {  	_ =	shalt  }
0x6b: {  	_ =	shalt  }
0x6c: {  	_ =	shalt  }
0x6d: {  	_ =	shalt  }
0x6e: {  	_ =	shalt  }
0x6f: {  	_ =	shalt  }
0x70: {  	_ =	shalt  }
0x71: {  	_ =	shalt  }
0x72: {  	_ =	shalt  }
0x73: {  	_ =	shalt  }
0x74: {  	_ =	shalt  }
0x75: {  	_ =	shalt  }
0x76: {  	_ =	shalt  }
0x77: {  	_ =	shalt  }
0x78: {  	_ =	shalt  }
0x79: {  	_ =	shalt  }
0x7a: {  	_ =	shalt  }
0x7b: {  	_ =	shalt  }
0x7c: {  	_ =	shalt  }
0x7d: {  	_ =	shalt  }
0x7e: {  	_ =	shalt  }
0x7f: {  	_ =	shalt  }
0x80: {  	_ =	shalt  }
0x81: {  	_ =	shalt  }
0x82: {  	_ =	shalt  }
0x83: {  	_ =	shalt  }
0x84: {  	_ =	shalt  }
0x85: {  	_ =	shalt  }
0x86: {  	_ =	shalt  }
0x87: {  	_ =	shalt  }
.Lfunc_end0:
.L_simem_size_0:
called_computation_lowered:
.L_overlay_start_0:
0x88: {  	s2 =	sld [smem:$0x3FD9]  }
0x89: {  	s3 =	sld [smem:$0x3FFE];
	_ =	sdelay $0x1  }
0x8a: {  	s1 =	srdreg.scid  }
0x8b: {  	s0 =	sand.u32 $0x1, s1  }
0x8c: {  	s16 =	sshll.u32 s0, $0xA;
	s2 =	sadd.s32 s3, s2  }
0x8d: {  	s2 =	sadd.s32 s2, s16  }
0x8e: {  	[smem:$0x3FC1] =	sst s2  }
0x8f: {  	_ = 	snop  }
0x90: {  	(tm) =	ssettm $0x1  }
0x91: {  	s17 =	sld [smem:$0x3FFB];
	_ =	sdelay $0x3  }
0x92: {  	_ =	strace s17  }
0x93: {  	s2 =	sld [smem:$0x3FFC];
	_ =	sdelay $0x3  }
0x94: {  	_ =	strace s2  }
0x95: {  	s2 =	sld [smem:$0x3FFD];
	_ =	sdelay $0x3  }
0x96: {  	_ =	strace s2  }
0x97: {  	_ =	strace $0x8FFFFFFF  }
0x98: {  	s18 =	sld [smem:$0x3FDB];
	_ =	sdelay $0x1  }
0x99: {  	s19 =	simm.s32 $_scs_section_size  }
0x9a: {  	s4 =	simm.s32 $_size__tile_overlayer_lowered;
	s5 =	simm.s32 $_tile_overlayer_lowered  }
0x9b: {  	s22 =	simm.s32 $0x1BFF;
	s21 =	sshll.u32 s5, $0x1;
	s2 =	sadd.s32 s19, s18  }
0x9c: {  	s6 =	simm.s32 $0x0;
	s20 =	sshll.u32 s4, $0x1;
	s4 =	sadd.s32 s21, s2  }
0x9d: {  	[timem:s6], [sflag:s22] =	dma.local [hbm:s4], s20  }
0x9e: {  	_ =	swait.ge [sflag:s22], s20  }
0x9f: {  	s3 =	ssub.s32 $0x0, s20;
	[sflag:s22] =	ssyncset.done $0x0  }
0xa0: {  	[sflag:s22] =	ssyncadd.s32 s3;
	_ =	sdelay $0x1  }
0xa1: {  	s23 =	simm.s32 $0x1B8B  }
0xa2: {  	_ =	swait.ge [sflag:s23], $0x1  }
0xa3: {  	[sflag:s23] =	ssyncset.done $0x0  }
0xa4: {  	s25 =	simm.s32 $0x1B8E;
	s24 =	sld [smem:$0x3FFE];
	[sflag:s23] =	ssyncadd.s32 $0xFFFFFFFF  }
0xa5: {  	s26 =	simm.s32 $execute0_lowered;
	[smem:$0x3FD2] =	sst s25  }
0xa6: {  	s4 =	sshll.u32 s26, $0x1;
	_ =	strace $0x80000046;
	[dreg:$0x1] =	wrdreg $0xFFFFFFFF  }
0xa7: {  	s28 =	simm.s32 $_size_execute0_lowered;
	s2 =	sadd.s32 s2, s4;
	[dreg:$0x0] =	wrdreg $0x0  }
0xa8: {  	s4 =	sshll.u32 s28, $0x1;
	[dreg:$0x2] =	wrdreg s2  }
0xa9: {  	[dreg:$0x3] =	wrdreg s4  }
0xaa: {  	[dreg:$0x4] =	wrdreg $0xC0  }
0xab: {  	_ =	task [dreg:s6], $0x5FFFF  }
0xac: {  	[dreg:$0x1] =	wrdreg $0xFFFFFFFF  }
0xad: {  	[dreg:$0x0] =	wrdreg $0x60  }
0xae: {  	[dreg:$0x2] =	wrdreg s24  }
0xaf: {  	[dreg:$0x3] =	wrdreg $0x81000  }
0xb0: {  	[dreg:$0x4] =	wrdreg $0x9  }
0xb1: {  	_ =	task.clear_ibuf [dreg:s6], $0x5FFFF;
	_ =	strace $0x90000046  }
0xb2: {  	s29 =	simm.s32 $0x9;
	_ =	strace $0x80000048  }
0xb3: {  	_ =	swait.ge [sflag:s29], $0x1  }
0xb4: {  	[sflag:s29] =	ssyncadd.s32 $0xFFFFFFFF  }
0xb5: {  	_ =	strace $0x90000048  }
0xb6: {  	_ =	sfence  }
0xb7: {  	s30 =	sld [smem:$0x0];
	_ =	sdelay $0x2  }
0xb8: {  	s31 =	sshll.u32 s1, $0xD;
	s1 =	sshrl.u32 s1, $0x2  }
0xb9: {  	s3 =	sand.u32 $0x4000, s31;
	s1 =	sadd.s32 s1, s30  }
0xba: {  	s0 =	sor.u32 s3, s0;
	s1 =	sshll.u32 s1, $0x11  }
0xbb: {  	s0 =	sor.u32 s1, s0  }
0xbc: {  	s0 =	sadd.s32 $0x8F2B, s0  }
0xbd: {  	[sflag:s0] =	ssyncadd.remote.s32 $0x1  }
0xbe: {  	_ =	sfence.sel $0xFFFF  }
0xbf: {  	[dreg:$0x0] =	wrdreg $0xFFFFFFFF;
	(pc) =	sbr.abs _section_cstart, $3  }
0xc0: {  	[dreg:$0x1] =	wrdreg $0xFFFFFFFF  }
0xc1: {  	_ =	task.clear_ibuf [dreg:s6], $0x2FFFF;
	_ =	strace $0x9FFFFFFF  }
0xc2: {  	(tm) =	ssettm $0x7FFFFFFF  }
0xc3: {  	_ =	shalt  }
tec
execute0_lowered:
.L_overlay_start_1:
0x0: {  	(tag) =	ssettag $0x1  }
0x1: {  	s10 =	rddreg [dreg:$0x0]  }
0x2: {  	s1 =	rddreg [dreg:$0x1]  }
0x3: {  	s0 =	rddreg [dreg:$0x2]  }
0x4: {  	s3 =	simm.s32 $0x0;
	s4 =	srdreg.scid;
	s2 =	stileid.u32  }
0x5: {  	[smem:$0x7FF] =	sst s3;
	s5 =	smul.u32 $0x50000, s2  }
0x6: {  	s12 =	sand.u32 $0x1, s4;
	s18 =	sadd.s32 $0x2000, s10;
	s9 =	smul.u32 $0x14000, s2  }
0x7: {  	s14 =	sadd.s32 $0xC000, s10;
	s19 =	sshll.u32 s2, $0x1;
	s24 =	smul.u32 $0x5000, s2  }
0x8: {  	_ =	strace $0x80000047;
	s4 =	ssub.s32 $0x2, s12;
	s20 =	sor.u32 s12, s19  }
0x9: {  	s19 =	smul.u32 $0x140000, s12;
	s6 =	sshrl.u32 s4, $0x1;
	s21 =	sshrl.u32 s5, $0x2  }
0xa: {  	s11 =	sadd.s32 $0x4000, s9;
	s13 =	smul.u32 $0x2800, s20;
	s16 =	sadd.s32 $0x8000, s9  }
0xb: {  	s17 =	sadd.s32 $0xC000, s9;
	s20 =	sadd.s32 $0x10000, s9;
	s15 =	ssub.s32 s4, s6  }
0xc: {  	s4 =	sadd.s32 s21, s1;
	s5 =	sadd.s32 s11, s1;
	s6 =	sadd.s32 s16, s1  }
0xd: {  	s7 =	sadd.s32 s17, s1;
	s8 =	sadd.s32 s20, s1;
	s22 =	sadd.s32 s9, s19  }
0xe: {  	s11 =	sadd.s32 s19, s11;
	s23 =	sadd.s32 s19, s16;
	s17 =	sadd.s32 s19, s17  }
0xf: {  	s26 =	sadd.s32 s19, s20;
	s19 =	simm.s32 $0x4100;
	s20 =	simm.s32 $0x1  }
0x10: {  	s21 =	sshrl.u32 s13, $0x3;
	s13 =	sshrl.u32 s22, $0x3;
	s22 =	sadd.s32 $0x2010, s10  }
0x11: {  	s11 =	sshrl.u32 s11, $0x3;
	s25 =	sshrl.u32 s17, $0x3;
	s17 =	sshrl.u32 s26, $0x3  }
0x12: {  	s15 =	smax.u32 s15, $0x1;
	s9 =	sadd.s32 s18, s21;
	s10 =	sadd.s32 s14, s13  }
0x13: {  	s11 =	sadd.s32 s14, s11;
	s13 =	sshrl.u32 s23, $0x3;
	s23 =	smul.u32 $0x2800, s12  }
0x14: {  	s29 =	sadd.s32 s22, s21;
	s21 =	simm.s32 $0x80;
	s12 =	sadd.s32 s14, s13  }
0x15: {  	s13 =	sadd.s32 s14, s25;
	s14 =	sadd.s32 s14, s17;
	s16 =	sadd.s32 s23, s24  }
0x16: {  	s23 =	simm.s32 $0x100;
	s24 =	simm.s32 $0x0;
	s28 =	sor.u32 $0x100, s16  }
0x17: {  	v0 =	vimm.f32 $0.0e+00;
	vm0 =	vcmask $0x300;
	s30 =	sshrl.u32 s16, $0x3;
	s16 =	sadd.s32 $0x4E0, s29;
	s31 =	sshrl.u32 s28, $0x3  }
0x18: {  	v1 =	vsel vm0, $0x3F800000, v0;
	s17 =	sadd.s32 s30, s22;
	s22 =	simm.s32 $0x2;
	s18 =	sadd.s32 s31, s18  }
.LBB2_1:
0x19: {  	s25 =	simm.s32 $0x0  }
.LBB2_2:
0x1a: {  	p0 =	sne.s32 s25, $0xFE00  }
.Ltmp0:
0x1b: {  	_ = 	snop;
	(pc) =	sbr.rel @p0 .LBB2_2-.Ltmp0, $3  }
0x1c: {  	_ =	sdelay $0x1  }
0x1d: {  	s26 =	sshra.s32 s25, $0x2  }
0x1e: {  	s25 =	sadd.s32 $0x200, s25;
	[tilespmem:s26+$0x100] =	vst v1  }
0x1f: {  	s25 =	simm.s32 $0x200;
	s26 =	simm.s32 $0x0  }
.LBB2_4:
0x20: {  	p0 =	sne.s32 s25, $0xFE00;
	[tilespmem:s26+$0x4100] =	vst v0;
	s26 =	smov.u32 s25;
	s25 =	sadd.s32 $0x200, s25  }
.Ltmp1:
0x21: {  	(pc) =	sbr.rel @p0 .LBB2_4-.Ltmp1, $2  }
0x22: {  	_ =	sdelay $0x2  }
0x23: {  	s26 =	sshra.s32 s26, $0x2  }
0x24: {  	[tilespmem:s26+$0x4100] =	vst v0  }
0x25: {  	[spmem:s4] =	stream.linear.scatter [tilespmem:s19], [sflag:$0x1], $0x4000, $0x38;
	[tilespmem:$0xA900] =	vst v63  }
0x26: {  	_ =	swait.ge [sflag:s20], $0x4000  }
0x27: {  	[sflag:s20] =	ssyncset.done $0x0  }
0x28: {  	[sflag:s20] =	ssyncadd.s32 $0xFFFFC000  }
0x29: {  	[spmem:s5] =	stream.linear.scatter [tilespmem:s19], [sflag:$0x1], $0x4000, $0x38;
	[tilespmem:$0xA900] =	vst v63  }
0x2a: {  	_ =	swait.ge [sflag:s20], $0x4000  }
0x2b: {  	[sflag:s20] =	ssyncset.done $0x0  }
0x2c: {  	[sflag:s20] =	ssyncadd.s32 $0xFFFFC000  }
0x2d: {  	[spmem:s6] =	stream.linear.scatter [tilespmem:s19], [sflag:$0x1], $0x4000, $0x38;
	[tilespmem:$0xA900] =	vst v63  }
0x2e: {  	_ =	swait.ge [sflag:s20], $0x4000  }
0x2f: {  	[sflag:s20] =	ssyncset.done $0x0  }
0x30: {  	[sflag:s20] =	ssyncadd.s32 $0xFFFFC000  }
0x31: {  	[spmem:s7] =	stream.linear.scatter [tilespmem:s19], [sflag:$0x1], $0x4000, $0x38;
	[tilespmem:$0xA900] =	vst v63  }
0x32: {  	_ =	swait.ge [sflag:s20], $0x4000  }
0x33: {  	[sflag:s20] =	ssyncset.done $0x0  }
0x34: {  	[sflag:s20] =	ssyncadd.s32 $0xFFFFC000  }
0x35: {  	[spmem:s8] =	stream.linear.scatter [tilespmem:s19], [sflag:$0x1], $0x4000, $0x38;
	[tilespmem:$0xA900] =	vst v63  }
0x36: {  	_ =	swait.ge [sflag:s20], $0x4000  }
0x37: {  	[sflag:s20] =	ssyncset.done $0x0  }
0x38: {  	[sflag:s20] =	ssyncadd.s32 $0xFFFFC000  }
0x39: {  	s25 =	simm.s32 $0x0;
	[bflag:$0x0] =	sbarrier.arrive $0xFFFF  }
0x3a: {  	[tilespmem:s25], [sflag:$0x1] =	stream.linear.gather [hbm4b:s9+s25], $0x80, $0x38;
	[tilespmem:$0xA900] =	vst v63  }
0x3b: {  	_ =	swait.ge [sflag:s20], $0x80  }
0x3c: {  	[sflag:s20] =	ssyncset.done $0x0  }
0x3d: {  	s30 =	sadd.s32 $0x0, s17;
	[sflag:s20] =	ssyncadd.s32 $0xFFFFFF80  }
0x3e: {  	[tilespmem:s21], [sflag:$0x2] =	stream.linear.gather [hbm4b:s30+s3], $0x80, $0x38;
	[tilespmem:$0xA900] =	vst v63  }
0x3f: {  	_ =	swait.ge [sflag:s22], $0x80  }
0x40: {  	[sflag:s22] =	ssyncset.done $0x0  }
0x41: {  	[sflag:s22] =	ssyncadd.s32 $0xFFFFFF80  }
0x42: {  	[spmem:s1] =	stream.indirect.scatter.add.f32 [tilespmem:s23], [sflag:$0x2], $0x10, s3, s21, $0xb8;
	[tilespmem:$0xA900] =	vst v63  }
0x43: {  	_ =	swait.ge [sflag:s22], $0x800  }
0x44: {  	[sflag:s22] =	ssyncset.done $0x0  }
0x45: {  	s31 =	sadd.s32 $0x0, s18;
	[sflag:s22] =	ssyncadd.s32 $0xFFFFF800  }
0x46: {  	[tilespmem:s3], [sflag:$0x2] =	stream.linear.gather [hbm4b:s31+s3], $0x80, $0x38;
	[tilespmem:$0xA900] =	vst v63  }
0x47: {  	_ =	swait.ge [sflag:s22], $0x80  }
0x48: {  	[sflag:s22] =	ssyncset.done $0x0  }
0x49: {  	[sflag:s22] =	ssyncadd.s32 $0xFFFFFF80  }
0x4a: {  	[spmem:s1] =	stream.indirect.scatter.add.f32 [tilespmem:s23], [sflag:$0x1], $0x10, s21, s21, $0xb8;
	[tilespmem:$0xA900] =	vst v63  }
0x4b: {  	_ =	swait.ge [sflag:s20], $0x800  }
0x4c: {  	s26 =	simm.s32 $0x40;
	s25 =	simm.s32 $0x20;
	[sflag:s20] =	ssyncset.done $0x0  }
.LBB2_6:
0x4d: {  	s28 =	sadd.s32 s25, s17  }
0x4e: {  	[sflag:s20] =	ssyncadd.s32 $0xFFFFF800;
	s29 =	smov.u32 s26;
	s30 =	sadd.s32 $0x20, s26  }
0x4f: {  	[tilespmem:s21], [sflag:$0x2] =	stream.linear.gather [hbm4b:s28+s3], $0x80, $0x38;
	[tilespmem:$0xA900] =	vst v63  }
0x50: {  	p0 =	sne.s32 s26, $0x4C0;
	_ =	swait.ge [sflag:s22], $0x80  }
0x51: {  	[sflag:s22] =	ssyncset.done $0x0  }
0x52: {  	[sflag:s22] =	ssyncadd.s32 $0xFFFFFF80  }
0x53: {  	[spmem:s1] =	stream.indirect.scatter.add.f32 [tilespmem:s23], [sflag:$0x2], $0x10, s3, s21, $0xb8;
	[tilespmem:$0xA900] =	vst v63  }
0x54: {  	_ =	swait.ge [sflag:s22], $0x800  }
0x55: {  	[sflag:s22] =	ssyncset.done $0x0  }
0x56: {  	s26 =	sadd.s32 s25, s18;
	s25 =	smov.u32 s29;
	[sflag:s22] =	ssyncadd.s32 $0xFFFFF800  }
0x57: {  	[tilespmem:s3], [sflag:$0x2] =	stream.linear.gather [hbm4b:s26+s3], $0x80, $0x38;
	[tilespmem:$0xA900] =	vst v63  }
0x58: {  	_ =	swait.ge [sflag:s22], $0x80  }
.Ltmp2:
0x59: {  	[sflag:s22] =	ssyncset.done $0x0;
	(pc) =	sbr.rel @p0 .LBB2_6-.Ltmp2, $4  }
0x5a: {  	[sflag:s22] =	ssyncadd.s32 $0xFFFFFF80  }
0x5b: {  	[spmem:s1] =	stream.indirect.scatter.add.f32 [tilespmem:s23], [sflag:$0x1], $0x10, s21, s21, $0xb8;
	[tilespmem:$0xA900] =	vst v63  }
0x5c: {  	_ =	swait.ge [sflag:s20], $0x800  }
0x5d: {  	s26 =	smov.u32 s30;
	[sflag:s20] =	ssyncset.done $0x0  }
0x5e: {  	s26 =	sadd.s32 s25, s17;
	[sflag:s20] =	ssyncadd.s32 $0xFFFFF800  }
0x5f: {  	[tilespmem:s21], [sflag:$0x2] =	stream.linear.gather [hbm4b:s26+s3], $0x80, $0x38;
	[tilespmem:$0xA900] =	vst v63  }
0x60: {  	_ =	swait.ge [sflag:s22], $0x80  }
0x61: {  	[sflag:s22] =	ssyncset.done $0x0  }
0x62: {  	[sflag:s22] =	ssyncadd.s32 $0xFFFFFF80  }
0x63: {  	[spmem:s1] =	stream.indirect.scatter.add.f32 [tilespmem:s23], [sflag:$0x2], $0x10, s3, s21, $0xb8;
	[tilespmem:$0xA900] =	vst v63  }
0x64: {  	_ =	swait.ge [sflag:s22], $0x800  }
0x65: {  	[sflag:s22] =	ssyncset.done $0x0  }
0x66: {  	s31 =	sadd.s32 s25, s18;
	[sflag:s22] =	ssyncadd.s32 $0xFFFFF800  }
0x67: {  	[tilespmem:s3], [sflag:$0x2] =	stream.linear.gather [hbm4b:s31+s3], $0x80, $0x38;
	[tilespmem:$0xA900] =	vst v63  }
0x68: {  	_ =	swait.ge [sflag:s22], $0x80  }
0x69: {  	[sflag:s22] =	ssyncset.done $0x0  }
0x6a: {  	[sflag:s22] =	ssyncadd.s32 $0xFFFFFF80  }
0x6b: {  	[spmem:s1] =	stream.indirect.scatter.add.f32 [tilespmem:s23], [sflag:$0x1], $0x10, s21, s21, $0xb8;
	[tilespmem:$0xA900] =	vst v63  }
0x6c: {  	_ =	swait.ge [sflag:s20], $0x800  }
0x6d: {  	[sflag:s20] =	ssyncset.done $0x0  }
0x6e: {  	[sflag:s20] =	ssyncadd.s32 $0xFFFFF800  }
0x6f: {  	[tilespmem:s21], [sflag:$0x2] =	stream.linear.gather [hbm4b:s16+s3], $0x80, $0x38;
	[tilespmem:$0xA900] =	vst v63  }
0x70: {  	_ =	swait.ge [sflag:s22], $0x80  }
0x71: {  	[sflag:s22] =	ssyncset.done $0x0  }
0x72: {  	[sflag:s22] =	ssyncadd.s32 $0xFFFFFF80  }
0x73: {  	[spmem:s1] =	stream.indirect.scatter.add.f32 [tilespmem:s23], [sflag:$0x2], $0x10, s3, s21, $0xb8;
	[tilespmem:$0xA900] =	vst v63  }
0x74: {  	_ =	swait.ge [sflag:s22], $0x800  }
0x75: {  	[sflag:s22] =	ssyncset.done $0x0  }
0x76: {  	[sflag:s22] =	ssyncadd.s32 $0xFFFFF800  }
0x77: {  	[spmem:s1] =	stream.indirect.scatter.add.f32 [tilespmem:s23], [sflag:$0x1], $0x10, s21, s21, $0xb8;
	[tilespmem:$0xA900] =	vst v63  }
0x78: {  	_ =	swait.ge [sflag:s20], $0x800  }
0x79: {  	[sflag:s20] =	ssyncset.done $0x0  }
0x7a: {  	[sflag:s20] =	ssyncadd.s32 $0xFFFFF800  }
0x7b: {  	[bflag:$0x0] =	sbarrier.arrive $0xFFFF  }
0x7c: {  	[tilespmem:s19], [sflag:$0x1] =	stream.linear.gather [spmem:s4], $0x4000, $0x38;
	[tilespmem:$0xA900] =	vst v63  }
0x7d: {  	_ =	swait.ge [sflag:s20], $0x4000  }
0x7e: {  	[sflag:s20] =	ssyncset.done $0x0  }
0x7f: {  	[sflag:s20] =	ssyncadd.s32 $0xFFFFC000  }
0x80: {  	[hbm4b:s10+s3] =	stream.linear.scatter [tilespmem:s19], [sflag:$0x1], $0x4000, $0x38;
	[tilespmem:$0xA900] =	vst v63  }
0x81: {  	_ =	swait.ge [sflag:s20], $0x4000  }
0x82: {  	[sflag:s20] =	ssyncset.done $0x0  }
0x83: {  	[sflag:s20] =	ssyncadd.s32 $0xFFFFC000  }
0x84: {  	[tilespmem:s19], [sflag:$0x1] =	stream.linear.gather [spmem:s5], $0x4000, $0x38;
	[tilespmem:$0xA900] =	vst v63  }
0x85: {  	_ =	swait.ge [sflag:s20], $0x4000  }
0x86: {  	[sflag:s20] =	ssyncset.done $0x0  }
0x87: {  	[sflag:s20] =	ssyncadd.s32 $0xFFFFC000  }
0x88: {  	[hbm4b:s11+s3] =	stream.linear.scatter [tilespmem:s19], [sflag:$0x1], $0x4000, $0x38;
	[tilespmem:$0xA900] =	vst v63  }
0x89: {  	_ =	swait.ge [sflag:s20], $0x4000  }
0x8a: {  	[sflag:s20] =	ssyncset.done $0x0  }
0x8b: {  	[sflag:s20] =	ssyncadd.s32 $0xFFFFC000  }
0x8c: {  	[tilespmem:s19], [sflag:$0x1] =	stream.linear.gather [spmem:s6], $0x4000, $0x38;
	[tilespmem:$0xA900] =	vst v63  }
0x8d: {  	_ =	swait.ge [sflag:s20], $0x4000  }
0x8e: {  	[sflag:s20] =	ssyncset.done $0x0  }
0x8f: {  	[sflag:s20] =	ssyncadd.s32 $0xFFFFC000  }
0x90: {  	[hbm4b:s12+s3] =	stream.linear.scatter [tilespmem:s19], [sflag:$0x1], $0x4000, $0x38;
	[tilespmem:$0xA900] =	vst v63  }
0x91: {  	_ =	swait.ge [sflag:s20], $0x4000  }
0x92: {  	[sflag:s20] =	ssyncset.done $0x0  }
0x93: {  	[sflag:s20] =	ssyncadd.s32 $0xFFFFC000  }
0x94: {  	[tilespmem:s19], [sflag:$0x1] =	stream.linear.gather [spmem:s7], $0x4000, $0x38;
	[tilespmem:$0xA900] =	vst v63  }
0x95: {  	_ =	swait.ge [sflag:s20], $0x4000  }
0x96: {  	[sflag:s20] =	ssyncset.done $0x0  }
0x97: {  	[sflag:s20] =	ssyncadd.s32 $0xFFFFC000  }
0x98: {  	[hbm4b:s13+s3] =	stream.linear.scatter [tilespmem:s19], [sflag:$0x1], $0x4000, $0x38;
	[tilespmem:$0xA900] =	vst v63  }
0x99: {  	_ =	swait.ge [sflag:s20], $0x4000  }
0x9a: {  	[sflag:s20] =	ssyncset.done $0x0  }
0x9b: {  	[sflag:s20] =	ssyncadd.s32 $0xFFFFC000  }
0x9c: {  	[tilespmem:s19], [sflag:$0x1] =	stream.linear.gather [spmem:s8], $0x4000, $0x38;
	[tilespmem:$0xA900] =	vst v63  }
0x9d: {  	s24 =	sadd.s32 $0x1, s24;
	_ =	swait.ge [sflag:s20], $0x4000  }
0x9e: {  	p0 =	sne.s32 s24, s15;
	[sflag:s20] =	ssyncset.done $0x0  }
.Ltmp3:
0x9f: {  	[sflag:s20] =	ssyncadd.s32 $0xFFFFC000;
	(pc) =	sbr.rel @p0 .LBB2_1-.Ltmp3, $4  }
0xa0: {  	[hbm4b:s14+s3] =	stream.linear.scatter [tilespmem:s19], [sflag:$0x1], $0x4000, $0x38;
	[tilespmem:$0xA900] =	vst v63  }
0xa1: {  	_ =	swait.ge [sflag:s20], $0x4000  }
0xa2: {  	[sflag:s20] =	ssyncset.done $0x0  }
0xa3: {  	[sflag:s20] =	ssyncadd.s32 $0xFFFFC000  }
0xa4: {  	_ =	sfence.sel $0x180000  }
0xa5: {  	[bflag:$0x0] =	sbarrier.arrive $0xFFFF  }
0xa6: {  	p0 =	sne.s32 s2, $0x0;
	_ =	strace $0x90000047  }
0xa7: {  	s0 =	sadd.s32 @!p0 $0x100000, s0;
	[bflag:$0x2] =	sbarrier.arrive $0xFFFF  }
0xa8: {  	[sflag:s0] =	ssyncadd.tile.s32 @!p0 $0x1;
	_ =	shalt  }
.Lfunc_end2:
_tile_overlayer_lowered:
.L_overlay_start_2:
0xa9: {  	(tag) =	ssettag $0x2  }
0xaa: {  	s0 =	rddreg [dreg:$0x0];
	s2 =	stileid.u32  }
0xab: {  	s1 =	rddreg [dreg:$0x1];
	p0 =	sne.s32 s2, $0x0  }
0xac: {  	s3 =	rddreg [dreg:$0x2];
	[bflag:$0x3] =	sbarrier.arrive $0xFFFF;
	s2 =	simm.s32 @!p0 $0x1C01  }
0xad: {  	[timem:s3], [sflag:s2] =	dma.local @!p0 [hbm:s0], s1  }
0xae: {  	s0 =	simm.s32 @!p0 $0x1  }
0xaf: {  	_ =	swait.ge @!p0 [sflag:s0], s1  }
0xb0: {  	s1 =	ssub.s32 @!p0 $0x0, s1;
	[sflag:s0] =	ssyncset.done @!p0 $0x0  }
0xb1: {  	[sflag:s0] =	ssyncadd.s32 @!p0 s1  }
0xb2: {  	[bflag:$0x3] =	sbarrier.arrive $0xFFFF  }
0xb3: {  	_ =	shalt  }

// kernel: kernel.9.cloned.1.call-start
scs
__scs_entry_jumppad:
0x0: {  	(pc) =	sbr.rel $0x88, $3  }
0x1: {  	(tag) =	ssettag $0x0;
	lr =	simm.s32 $0x1  }
0x2: {  	[smem:$0x3F9A] =	sst lr;
	_ =	strace $0xD0000000  }
0x3: {  	_ = 	snop  }
0x4: {  	_ = 	snop  }
0x5: {  	_ = 	snop  }
0x6: {  	_ = 	snop  }
0x7: {  	_ = 	snop  }
__scs_overlays_trampoline_lowered:
0x8: {  	[smem:$0x3FA9] =	sst s0  }
0x9: {  	[smem:$0x3FAA] =	sst s1  }
0xa: {  	[smem:$0x3FAB] =	sst s2  }
0xb: {  	[smem:$0x3FAC] =	sst s3  }
0xc: {  	[smem:$0x3FAD] =	sst s4  }
0xd: {  	[smem:$0x3FAE] =	sst s5  }
0xe: {  	[smem:$0x3FAF] =	sst s6  }
0xf: {  	[smem:$0x3FB0] =	sst s7  }
0x10: {  	[smem:$0x3FB1] =	sst s8  }
0x11: {  	[smem:$0x3FB2] =	sst s9;
	s0 =	simm.s32 @!p0 $0x0  }
0x12: {  	s1 =	sld [smem:$0x3F98];
	s0 =	simm.s32 @p0 $0x1  }
0x13: {  	[smem:$0x3FB3] =	sst s0;
	s0 =	simm.s32 @!p1 $0x0  }
0x14: {  	s2 =	sld [smem:$0x3F97];
	s0 =	simm.s32 @p1 $0x1  }
0x15: {  	[smem:$0x3FB4] =	sst s0;
	s0 =	simm.s32 @!p2 $0x0  }
0x16: {  	s3 =	sld [smem:$0x3FDB];
	s0 =	simm.s32 @p2 $0x1  }
0x17: {  	s4 =	simm.s32 $0x1BF5;
	[smem:$0x3FB6] =	sst s0  }
0x18: {  	s0 =	sld [smem:$0x3F99];
	_ =	swait.ge [sflag:s4], $0x0  }
0x19: {  	s7 =	sld [smem:$0x3F9A]  }
0x1a: {  	s8 =	sadd.s32 $0xFFFFE003, lr  }
0x1b: {  	s9 =	sadd.s32 $0xFFFFFEF7, lr;
	s5 =	simm.s32 $0xFFFFFFFF;
	p2 =	slt.u32 s8, $0xFFFFF086  }
0x1c: {  	p1 =	slt.u32 s9, $0xF7A;
	s5 =	simm.s32 @!p2 $0x0  }
0x1d: {  	s5 =	simm.s32 @p1 $0x1;
	p0 =	seq.s32 s7, s2  }
0x1e: {  	s7 =	smul.u32 @!p0 $0xF7A, s2;
	p2 =	seq.s32 @!p0 s5, $0x0  }
0x1f: {  	s9 =	smul.u32 $0xF7A, s1;
	s8 =	simm.s32 @!p0 $0x1BF5;
	p2 =	por !p2, p0  }
0x20: {  	[sflag:s8] =	ssyncset.s32 @!p0 $0xFFFFF086;
	s6 =	sadd.s32 @!p0 s3, s7;
	s7 =	simm.s32 @!p0 $0x108  }
0x21: {  	s3 =	sadd.s32 s3, s9;
	s6 =	sadd.s32 @!p0 $0x88, s6;
	s7 =	simm.s32 @p2 $0x1082  }
0x22: {  	[simem:s7], [sflag:s8] =	dma.local @!p0 [hbm:s6], $0xF7A  }
0x23: {  	s9 =	sor.u32 $0xD0000000, s2;
	s6 =	simm.s32 $0x108;
	_ =	swait.ge @!p0 [sflag:s8], $0x0  }
0x24: {  	s3 =	sadd.s32 $0x88, s3;
	s6 =	simm.s32 @!p1 $0x1082;
	[sflag:s4] =	ssyncset.s32 $0xFFFFF086  }
0x25: {  	[simem:s6], [sflag:s4] =	dma.local [hbm:s3], $0xF7A  }
0x26: {  	[smem:$0x3F9A] =	sst s1;
	(tag) =	ssettag s2;
	_ =	strace s9  }
0x27: {  	s1 =	sld [smem:$0x3FAA]  }
0x28: {  	s2 =	sld [smem:$0x3FAB]  }
0x29: {  	s4 =	sld [smem:$0x3FAD]  }
0x2a: {  	p0 =	seq.s32 s5, $0x0;
	s5 =	sld [smem:$0x3FAE]  }
0x2b: {  	s6 =	sld [smem:$0x3FAF]  }
0x2c: {  	s7 =	sld [smem:$0x3FB0]  }
0x2d: {  	s3 =	simm.s32 $0x108;
	s8 =	sld [smem:$0x3FB1]  }
0x2e: {  	s3 =	simm.s32 @!p0 $0x1082;
	s9 =	sld [smem:$0x3FB2]  }
0x2f: {  	lr =	sadd.s32 s0, s3;
	s0 =	sld [smem:$0x3FA9]  }
0x30: {  	s3 =	sld [smem:$0x3FAC]  }
0x31: {  	[smem:$0x3FB5] =	sst s10  }
0x32: {  	s10 =	sld [smem:$0x3FB3];
	_ =	sdelay $0x3  }
0x33: {  	p0 =	seq.s32 s10, $0x1;
	s10 =	sld [smem:$0x3FB5];
	_ =	sdelay $0x3  }
0x34: {  	[smem:$0x3FB5] =	sst s10  }
0x35: {  	s10 =	sld [smem:$0x3FB4];
	_ =	sdelay $0x3  }
0x36: {  	p1 =	seq.s32 s10, $0x1;
	s10 =	sld [smem:$0x3FB5];
	_ =	sdelay $0x3  }
0x37: {  	[smem:$0x3FB5] =	sst s10  }
0x38: {  	s10 =	sld [smem:$0x3FB6]  }
0x39: {  	_ = 	snop;
	(pc) =	sbr.ind lr, $3  }
0x3a: {  	_ = 	snop  }
0x3b: {  	_ = 	snop  }
0x3c: {  	p2 =	seq.s32 s10, $0x1;
	s10 =	sld [smem:$0x3FB5]  }
0x3d: {  	_ =	shalt  }
0x3e: {  	_ =	shalt  }
0x3f: {  	_ =	shalt  }
0x40: {  	_ =	shalt  }
0x41: {  	_ =	shalt  }
0x42: {  	_ =	shalt  }
0x43: {  	_ =	shalt  }
0x44: {  	_ =	shalt  }
0x45: {  	_ =	shalt  }
0x46: {  	_ =	shalt  }
0x47: {  	_ =	shalt  }
0x48: {  	_ =	shalt  }
0x49: {  	_ =	shalt  }
0x4a: {  	_ =	shalt  }
0x4b: {  	_ =	shalt  }
0x4c: {  	_ =	shalt  }
0x4d: {  	_ =	shalt  }
0x4e: {  	_ =	shalt  }
0x4f: {  	_ =	shalt  }
0x50: {  	_ =	shalt  }
0x51: {  	_ =	shalt  }
0x52: {  	_ =	shalt  }
0x53: {  	_ =	shalt  }
0x54: {  	_ =	shalt  }
0x55: {  	_ =	shalt  }
0x56: {  	_ =	shalt  }
0x57: {  	_ =	shalt  }
0x58: {  	_ =	shalt  }
0x59: {  	_ =	shalt  }
0x5a: {  	_ =	shalt  }
0x5b: {  	_ =	shalt  }
0x5c: {  	_ =	shalt  }
0x5d: {  	_ =	shalt  }
0x5e: {  	_ =	shalt  }
0x5f: {  	_ =	shalt  }
0x60: {  	_ =	shalt  }
0x61: {  	_ =	shalt  }
0x62: {  	_ =	shalt  }
0x63: {  	_ =	shalt  }
0x64: {  	_ =	shalt  }
0x65: {  	_ =	shalt  }
0x66: {  	_ =	shalt  }
0x67: {  	_ =	shalt  }
0x68: {  	_ =	shalt  }
0x69: {  	_ =	shalt  }
0x6a: {  	_ =	shalt  }
0x6b: {  	_ =	shalt  }
0x6c: {  	_ =	shalt  }
0x6d: {  	_ =	shalt  }
0x6e: {  	_ =	shalt  }
0x6f: {  	_ =	shalt  }
0x70: {  	_ =	shalt  }
0x71: {  	_ =	shalt  }
0x72: {  	_ =	shalt  }
0x73: {  	_ =	shalt  }
0x74: {  	_ =	shalt  }
0x75: {  	_ =	shalt  }
0x76: {  	_ =	shalt  }
0x77: {  	_ =	shalt  }
0x78: {  	_ =	shalt  }
0x79: {  	_ =	shalt  }
0x7a: {  	_ =	shalt  }
0x7b: {  	_ =	shalt  }
0x7c: {  	_ =	shalt  }
0x7d: {  	_ =	shalt  }
0x7e: {  	_ =	shalt  }
0x7f: {  	_ =	shalt  }
0x80: {  	_ =	shalt  }
0x81: {  	_ =	shalt  }
0x82: {  	_ =	shalt  }
0x83: {  	_ =	shalt  }
0x84: {  	_ =	shalt  }
0x85: {  	_ =	shalt  }
0x86: {  	_ =	shalt  }
0x87: {  	_ =	shalt  }
.Lfunc_end0:
.L_simem_size_0:
called_computation.1_lowered:
.L_overlay_start_0:
0x88: {  	s2 =	sld [smem:$0x3FD9]  }
0x89: {  	s3 =	sld [smem:$0x3FFE];
	_ =	sdelay $0x1  }
0x8a: {  	s1 =	srdreg.scid  }
0x8b: {  	s0 =	sand.u32 $0x1, s1  }
0x8c: {  	s16 =	sshll.u32 s0, $0xA;
	s2 =	sadd.s32 s3, s2  }
0x8d: {  	s2 =	sadd.s32 s2, s16  }
0x8e: {  	[smem:$0x3FC1] =	sst s2  }
0x8f: {  	_ = 	snop  }
0x90: {  	(tm) =	ssettm $0x1  }
0x91: {  	s17 =	sld [smem:$0x3FFB];
	_ =	sdelay $0x3  }
0x92: {  	_ =	strace s17  }
0x93: {  	s2 =	sld [smem:$0x3FFC];
	_ =	sdelay $0x3  }
0x94: {  	_ =	strace s2  }
0x95: {  	s2 =	sld [smem:$0x3FFD];
	_ =	sdelay $0x3  }
0x96: {  	_ =	strace s2  }
0x97: {  	_ =	strace $0x8FFFFFFF  }
0x98: {  	s18 =	sld [smem:$0x3FDB];
	_ =	sdelay $0x1  }
0x99: {  	s19 =	simm.s32 $_scs_section_size  }
0x9a: {  	s4 =	simm.s32 $_size__tile_overlayer_lowered;
	s5 =	simm.s32 $_tile_overlayer_lowered  }
0x9b: {  	s22 =	simm.s32 $0x1BFF;
	s21 =	sshll.u32 s5, $0x1;
	s2 =	sadd.s32 s19, s18  }
0x9c: {  	s6 =	simm.s32 $0x0;
	s20 =	sshll.u32 s4, $0x1;
	s4 =	sadd.s32 s21, s2  }
0x9d: {  	[timem:s6], [sflag:s22] =	dma.local [hbm:s4], s20  }
0x9e: {  	_ =	swait.ge [sflag:s22], s20  }
0x9f: {  	s3 =	ssub.s32 $0x0, s20;
	[sflag:s22] =	ssyncset.done $0x0  }
0xa0: {  	[sflag:s22] =	ssyncadd.s32 s3;
	_ =	sdelay $0x1  }
0xa1: {  	s23 =	simm.s32 $0x1B8B  }
0xa2: {  	_ =	swait.ge [sflag:s23], $0x1  }
0xa3: {  	[sflag:s23] =	ssyncset.done $0x0  }
0xa4: {  	s25 =	simm.s32 $0x1B8E;
	s24 =	sld [smem:$0x3FFE];
	[sflag:s23] =	ssyncadd.s32 $0xFFFFFFFF  }
0xa5: {  	s26 =	simm.s32 $execute0_lowered;
	[smem:$0x3FD2] =	sst s25  }
0xa6: {  	s4 =	sshll.u32 s26, $0x1;
	_ =	strace $0x80000049;
	[dreg:$0x1] =	wrdreg $0xFFFFFFFF  }
0xa7: {  	s28 =	simm.s32 $_size_execute0_lowered;
	s2 =	sadd.s32 s2, s4;
	[dreg:$0x0] =	wrdreg $0x0  }
0xa8: {  	s4 =	sshll.u32 s28, $0x1;
	[dreg:$0x2] =	wrdreg s2  }
0xa9: {  	[dreg:$0x3] =	wrdreg s4  }
0xaa: {  	[dreg:$0x4] =	wrdreg $0xC0  }
0xab: {  	_ =	task [dreg:s6], $0x5FFFF  }
0xac: {  	[dreg:$0x1] =	wrdreg $0xFFFFFFFF  }
0xad: {  	[dreg:$0x0] =	wrdreg $0x60  }
0xae: {  	[dreg:$0x2] =	wrdreg s24  }
0xaf: {  	[dreg:$0x3] =	wrdreg $0xA9000  }
0xb0: {  	[dreg:$0x4] =	wrdreg $0x9  }
0xb1: {  	_ =	task.clear_ibuf [dreg:s6], $0x5FFFF;
	_ =	strace $0x90000049  }
0xb2: {  	s29 =	simm.s32 $0x9;
	_ =	strace $0x8000004B  }
0xb3: {  	_ =	swait.ge [sflag:s29], $0x1  }
0xb4: {  	[sflag:s29] =	ssyncadd.s32 $0xFFFFFFFF  }
0xb5: {  	_ =	strace $0x9000004B  }
0xb6: {  	_ =	sfence  }
0xb7: {  	s30 =	sld [smem:$0x0];
	_ =	sdelay $0x2  }
0xb8: {  	s31 =	sshll.u32 s1, $0xD;
	s1 =	sshrl.u32 s1, $0x2  }
0xb9: {  	s3 =	sand.u32 $0x4000, s31;
	s1 =	sadd.s32 s1, s30  }
0xba: {  	s0 =	sor.u32 s3, s0;
	s1 =	sshll.u32 s1, $0x11  }
0xbb: {  	s0 =	sor.u32 s1, s0  }
0xbc: {  	s0 =	sadd.s32 $0x8F2B, s0  }
0xbd: {  	[sflag:s0] =	ssyncadd.remote.s32 $0x1  }
0xbe: {  	_ =	sfence.sel $0xFFFF  }
0xbf: {  	[dreg:$0x0] =	wrdreg $0xFFFFFFFF;
	(pc) =	sbr.abs _section_cstart, $3  }
0xc0: {  	[dreg:$0x1] =	wrdreg $0xFFFFFFFF  }
0xc1: {  	_ =	task.clear_ibuf [dreg:s6], $0x2FFFF;
	_ =	strace $0x9FFFFFFF  }
0xc2: {  	(tm) =	ssettm $0x7FFFFFFF  }
0xc3: {  	_ =	shalt  }
tec
execute0_lowered:
.L_overlay_start_1:
0x0: {  	(tag) =	ssettag $0x1  }
0x1: {  	s0 =	srdreg.scid  }
0x2: {  	s23 =	stileid.u32;
	s12 =	rddreg [dreg:$0x0]  }
0x3: {  	s2 =	rddreg [dreg:$0x1];
	s3 =	simm.s32 $0x0;
	s28 =	simm.s32 $0x1  }
0x4: {  	s29 =	simm.s32 $0x2;
	s30 =	simm.s32 $0x0;
	s7 =	smul.u32 $0x50000, s23  }
0x5: {  	s0 =	sand.u32 $0x1, s0;
	s1 =	sshll.u32 s23, $0x1;
	s11 =	smul.u32 $0x14000, s23  }
0x6: {  	[smem:$0x7FF] =	sst s3;
	s20 =	sadd.s32 $0x2000, s12;
	s24 =	smul.u32 $0x5000, s23  }
0x7: {  	s4 =	sadd.s32 $0x66000, s12;
	s16 =	sadd.s32 $0x8D200, s12;
	s15 =	smul.u32 $0x140000, s0  }
0x8: {  	s1 =	sor.u32 s0, s1;
	s6 =	ssub.s32 $0x2, s0;
	s0 =	smul.u32 $0x2800, s0  }
0x9: {  	s23 =	simm.s32 $0x80;
	_ =	strace $0x8000004A;
	s1 =	smul.u32 $0x2800, s1  }
0xa: {  	s8 =	sshrl.u32 s6, $0x1;
	s21 =	sshrl.u32 s7, $0x2;
	s13 =	sadd.s32 $0x4000, s11  }
0xb: {  	s14 =	sadd.s32 $0x8000, s11;
	s18 =	sadd.s32 $0xC000, s11;
	s19 =	sadd.s32 $0x10000, s11  }
0xc: {  	s17 =	ssub.s32 s6, s8;
	s6 =	sadd.s32 s21, s2;
	s7 =	sadd.s32 s13, s2  }
0xd: {  	s8 =	sadd.s32 s14, s2;
	s9 =	sadd.s32 s18, s2;
	s10 =	sadd.s32 s19, s2  }
0xe: {  	s21 =	sadd.s32 s11, s15;
	s13 =	sadd.s32 s15, s13;
	s14 =	sadd.s32 s15, s14  }
0xf: {  	s18 =	sadd.s32 s15, s18;
	s19 =	sadd.s32 s15, s19;
	s0 =	sadd.s32 s0, s24  }
0x10: {  	s24 =	simm.s32 $0x6900;
	s1 =	sshrl.u32 s1, $0x3;
	s21 =	sshrl.u32 s21, $0x3  }
0x11: {  	s13 =	sshrl.u32 s13, $0x3;
	s14 =	sshrl.u32 s14, $0x3;
	s18 =	sshrl.u32 s18, $0x3  }
0x12: {  	s25 =	sshrl.u32 s19, $0x3;
	s17 =	smax.u32 s17, $0x1;
	s26 =	sor.u32 $0x100, s0  }
0x13: {  	s0 =	sshrl.u32 s0, $0x3;
	s5 =	sadd.s32 s1, s12;
	s22 =	sadd.s32 s20, s1  }
0x14: {  	s13 =	sadd.s32 s16, s13;
	s14 =	sadd.s32 s16, s14;
	s15 =	sadd.s32 s16, s18  }
0x15: {  	s31 =	sshrl.u32 s26, $0x3;
	s26 =	simm.s32 $0x2880;
	s5 =	sadd.s32 $0x5C000, s5  }
0x16: {  	[dreg:$0x4] =	wrdreg s22;
	s22 =	sadd.s32 $0x2010, s12;
	s12 =	sadd.s32 s16, s21  }
0x17: {  	s16 =	sadd.s32 s16, s25;
	s20 =	sadd.s32 s31, s20;
	s21 =	simm.s32 $0x3  }
0x18: {  	s25 =	simm.s32 $0x2800;
	[dreg:$0x3] =	wrdreg s5;
	s1 =	sadd.s32 s22, s1  }
0x19: {  	v0 =	vimm.f32 $0.0e+00;
	s19 =	sadd.s32 s0, s22;
	s22 =	simm.s32 $0x2900;
	s18 =	sadd.s32 $0x4E0, s1  }
.LBB2_1:
0x1a: {  	s0 =	rddreg [dreg:$0x3]  }
0x1b: {  	[tilespmem:s3], [sflag:$0x3] =	stream.linear.gather [hbm4b:s0+s3], $0x2800, $0x38;
	[tilespmem:$0x1E900] =	vst v63  }
0x1c: {  	_ =	swait.ge [sflag:s21], $0x2800  }
0x1d: {  	[sflag:s21] =	ssyncset.done $0x0  }
0x1e: {  	s1 =	simm.s32 $0x200;
	s0 =	simm.s32 $0x0;
	[sflag:s21] =	ssyncadd.s32 $0xFFFFD800  }
.LBB2_2:
0x1f: {  	p0 =	sne.s32 s1, $0xFE00;
	[tilespmem:s0+$0x2970] =	vst v0  }
0x20: {  	[tilespmem:s0+$0x2900] =	vst v0  }
0x21: {  	[tilespmem:s0+$0x2910] =	vst v0  }
.Ltmp0:
0x22: {  	[tilespmem:s0+$0x2920] =	vst v0;
	(pc) =	sbr.rel @p0 .LBB2_2-.Ltmp0, $4  }
0x23: {  	[tilespmem:s0+$0x2930] =	vst v0  }
0x24: {  	[tilespmem:s0+$0x2940] =	vst v0  }
0x25: {  	[tilespmem:s0+$0x2950] =	vst v0  }
0x26: {  	[tilespmem:s0+$0x2960] =	vst v0;
	s0 =	sshra.s32 s1, $0x2;
	s1 =	sadd.s32 $0x200, s1  }
0x27: {  	[tilespmem:s0+$0x2970] =	vst v0  }
0x28: {  	[tilespmem:s0+$0x2900] =	vst v0  }
0x29: {  	[tilespmem:s0+$0x2910] =	vst v0  }
0x2a: {  	[tilespmem:s0+$0x2920] =	vst v0  }
0x2b: {  	[tilespmem:s0+$0x2930] =	vst v0  }
0x2c: {  	[tilespmem:s0+$0x2940] =	vst v0  }
0x2d: {  	[tilespmem:s0+$0x2950] =	vst v0  }
0x2e: {  	[tilespmem:s0+$0x2960] =	vst v0  }
0x2f: {  	[spmem:s6] =	stream.linear.scatter [tilespmem:s22], [sflag:$0x3], $0x4000, $0x38;
	[tilespmem:$0x1E900] =	vst v63  }
0x30: {  	_ =	swait.ge [sflag:s21], $0x4000  }
0x31: {  	[sflag:s21] =	ssyncset.done $0x0  }
0x32: {  	[sflag:s21] =	ssyncadd.s32 $0xFFFFC000  }
0x33: {  	[spmem:s7] =	stream.linear.scatter [tilespmem:s22], [sflag:$0x3], $0x4000, $0x38;
	[tilespmem:$0x1E900] =	vst v63  }
0x34: {  	_ =	swait.ge [sflag:s21], $0x4000  }
0x35: {  	[sflag:s21] =	ssyncset.done $0x0  }
0x36: {  	[sflag:s21] =	ssyncadd.s32 $0xFFFFC000  }
0x37: {  	[spmem:s8] =	stream.linear.scatter [tilespmem:s22], [sflag:$0x3], $0x4000, $0x38;
	[tilespmem:$0x1E900] =	vst v63  }
0x38: {  	_ =	swait.ge [sflag:s21], $0x4000  }
0x39: {  	[sflag:s21] =	ssyncset.done $0x0  }
0x3a: {  	[sflag:s21] =	ssyncadd.s32 $0xFFFFC000  }
0x3b: {  	[spmem:s9] =	stream.linear.scatter [tilespmem:s22], [sflag:$0x3], $0x4000, $0x38;
	[tilespmem:$0x1E900] =	vst v63  }
0x3c: {  	_ =	swait.ge [sflag:s21], $0x4000  }
0x3d: {  	[sflag:s21] =	ssyncset.done $0x0  }
0x3e: {  	[sflag:s21] =	ssyncadd.s32 $0xFFFFC000  }
0x3f: {  	[spmem:s10] =	stream.linear.scatter [tilespmem:s22], [sflag:$0x3], $0x4000, $0x38;
	[tilespmem:$0x1E900] =	vst v63  }
0x40: {  	_ =	swait.ge [sflag:s21], $0x4000  }
0x41: {  	[sflag:s21] =	ssyncset.done $0x0  }
0x42: {  	[sflag:s21] =	ssyncadd.s32 $0xFFFFC000  }
0x43: {  	s11 =	simm.s32 $0x0;
	[bflag:$0x0] =	sbarrier.arrive $0xFFFF  }
0x44: {  	[tilespmem:s22], [sflag:$0x1] =	stream.indirect.gather [hbm4b:s4+s23], $0x80, s11, s23, $0xb8;
	[tilespmem:$0x1E900] =	vst v63  }
0x45: {  	_ = 	snop  }
0x46: {  	[tilespmem:s24], [sflag:$0x2] =	stream.indirect.gather [hbm4b:s4+s23], $0x80, s23, s23, $0xb8;
	[tilespmem:$0x1E900] =	vst v63  }
0x47: {  	s1 =	rddreg [dreg:$0x4]  }
0x48: {  	[tilespmem:s25], [sflag:$0x3] =	stream.linear.gather [hbm4b:s1+s11], $0x80, $0x38;
	[tilespmem:$0x1E900] =	vst v63  }
0x49: {  	_ =	swait.ge [sflag:s21], $0x80  }
0x4a: {  	[sflag:s21] =	ssyncset.done $0x0  }
0x4b: {  	s1 =	sadd.s32 $0x0, s19;
	[sflag:s21] =	ssyncadd.s32 $0xFFFFFF80  }
0x4c: {  	[tilespmem:s26], [sflag:$0x3] =	stream.linear.gather [hbm4b:s1+s3], $0x80, $0x38;
	[tilespmem:$0x1E900] =	vst v63  }
0x4d: {  	_ =	swait.ge [sflag:s21], $0x80  }
0x4e: {  	[sflag:s21] =	ssyncset.done $0x0  }
0x4f: {  	[sflag:s21] =	ssyncadd.s32 $0xFFFFFF80  }
0x50: {  	_ =	swait.ge [sflag:s28], $0x4000  }
0x51: {  	[sflag:s28] =	ssyncset.done $0x0  }
0x52: {  	[sflag:s28] =	ssyncadd.s32 $0xFFFFC000  }
0x53: {  	[spmem:s2] =	stream.indirect.scatter.add.f32 [tilespmem:s22], [sflag:$0x3], $0x80, s25, s23, $0xb8;
	[tilespmem:$0x1E900] =	vst v63  }
0x54: {  	_ =	swait.ge [sflag:s21], $0x4000  }
0x55: {  	[sflag:s21] =	ssyncset.done $0x0  }
0x56: {  	s5 =	simm.s32 $0x100;
	[sflag:s21] =	ssyncadd.s32 $0xFFFFC000  }
0x57: {  	[tilespmem:s22], [sflag:$0x1] =	stream.indirect.gather [hbm4b:s4+s23], $0x80, s5, s23, $0xb8;
	[tilespmem:$0x1E900] =	vst v63  }
0x58: {  	s11 =	sadd.s32 $0x0, s20  }
0x59: {  	[tilespmem:s25], [sflag:$0x3] =	stream.linear.gather [hbm4b:s11+s3], $0x80, $0x38;
	[tilespmem:$0x1E900] =	vst v63  }
0x5a: {  	_ =	swait.ge [sflag:s21], $0x80  }
0x5b: {  	[sflag:s21] =	ssyncset.done $0x0  }
0x5c: {  	[sflag:s21] =	ssyncadd.s32 $0xFFFFFF80  }
0x5d: {  	_ =	swait.ge [sflag:s29], $0x4000  }
0x5e: {  	[sflag:s29] =	ssyncset.done $0x0  }
0x5f: {  	[sflag:s29] =	ssyncadd.s32 $0xFFFFC000  }
0x60: {  	[spmem:s2] =	stream.indirect.scatter.add.f32 [tilespmem:s24], [sflag:$0x3], $0x80, s26, s23, $0xb8;
	[tilespmem:$0x1E900] =	vst v63  }
0x61: {  	_ =	swait.ge [sflag:s21], $0x4000  }
0x62: {  	s31 =	simm.s32 $0x180;
	[sflag:s21] =	ssyncset.done $0x0  }
0x63: {  	s0 =	simm.s32 $0x280;
	s1 =	simm.s32 $0x20;
	[sflag:s21] =	ssyncadd.s32 $0xFFFFC000  }
.LBB2_4:
0x64: {  	[tilespmem:s24], [sflag:$0x2] =	stream.indirect.gather [hbm4b:s4+s23], $0x80, s31, s23, $0xb8;
	[tilespmem:$0x1E900] =	vst v63  }
0x65: {  	s5 =	smov.u32 s1;
	s31 =	smov.u32 s0  }
0x66: {  	p0 =	sne.s32 s1, $0x4C0;
	s1 =	sadd.s32 $0x20, s1;
	s11 =	sadd.s32 s5, s19  }
0x67: {  	[tilespmem:s26], [sflag:$0x3] =	stream.linear.gather [hbm4b:s11+s3], $0x80, $0x38;
	[tilespmem:$0x1E900] =	vst v63  }
0x68: {  	_ =	swait.ge [sflag:s21], $0x80  }
0x69: {  	[sflag:s21] =	ssyncset.done $0x0  }
0x6a: {  	[sflag:s21] =	ssyncadd.s32 $0xFFFFFF80  }
0x6b: {  	_ =	swait.ge [sflag:s28], $0x4000  }
0x6c: {  	[sflag:s28] =	ssyncset.done $0x0  }
0x6d: {  	[sflag:s28] =	ssyncadd.s32 $0xFFFFC000  }
0x6e: {  	[spmem:s2] =	stream.indirect.scatter.add.f32 [tilespmem:s22], [sflag:$0x3], $0x80, s25, s23, $0xb8;
	[tilespmem:$0x1E900] =	vst v63  }
0x6f: {  	_ =	swait.ge [sflag:s21], $0x4000  }
0x70: {  	[sflag:s21] =	ssyncset.done $0x0  }
0x71: {  	s11 =	sadd.s32 $0xFFFFFF80, s0;
	[sflag:s21] =	ssyncadd.s32 $0xFFFFC000  }
0x72: {  	[tilespmem:s22], [sflag:$0x1] =	stream.indirect.gather [hbm4b:s4+s23], $0x80, s11, s23, $0xb8;
	[tilespmem:$0x1E900] =	vst v63  }
0x73: {  	s5 =	sadd.s32 s5, s20  }
0x74: {  	[tilespmem:s25], [sflag:$0x3] =	stream.linear.gather [hbm4b:s5+s3], $0x80, $0x38;
	[tilespmem:$0x1E900] =	vst v63  }
0x75: {  	_ =	swait.ge [sflag:s21], $0x80  }
0x76: {  	[sflag:s21] =	ssyncset.done $0x0  }
0x77: {  	[sflag:s21] =	ssyncadd.s32 $0xFFFFFF80  }
0x78: {  	_ =	swait.ge [sflag:s29], $0x4000  }
0x79: {  	[sflag:s29] =	ssyncset.done $0x0  }
.Ltmp1:
0x7a: {  	[sflag:s29] =	ssyncadd.s32 $0xFFFFC000;
	(pc) =	sbr.rel @p0 .LBB2_4-.Ltmp1, $4  }
0x7b: {  	[spmem:s2] =	stream.indirect.scatter.add.f32 [tilespmem:s24], [sflag:$0x3], $0x80, s26, s23, $0xb8;
	[tilespmem:$0x1E900] =	vst v63  }
0x7c: {  	_ =	swait.ge [sflag:s21], $0x4000  }
0x7d: {  	[sflag:s21] =	ssyncset.done $0x0  }
0x7e: {  	s0 =	sadd.s32 $0x100, s0;
	[sflag:s21] =	ssyncadd.s32 $0xFFFFC000  }
0x7f: {  	[tilespmem:s24], [sflag:$0x2] =	stream.indirect.gather [hbm4b:s4+s23], $0x80, s31, s23, $0xb8;
	[tilespmem:$0x1E900] =	vst v63  }
0x80: {  	_ = 	snop  }
0x81: {  	[tilespmem:s26], [sflag:$0x3] =	stream.linear.gather [hbm4b:s18+s3], $0x80, $0x38;
	[tilespmem:$0x1E900] =	vst v63  }
0x82: {  	_ =	swait.ge [sflag:s21], $0x80  }
0x83: {  	[sflag:s21] =	ssyncset.done $0x0  }
0x84: {  	[sflag:s21] =	ssyncadd.s32 $0xFFFFFF80  }
0x85: {  	_ =	swait.ge [sflag:s28], $0x4000  }
0x86: {  	[sflag:s28] =	ssyncset.done $0x0  }
0x87: {  	[sflag:s28] =	ssyncadd.s32 $0xFFFFC000  }
0x88: {  	[spmem:s2] =	stream.indirect.scatter.add.f32 [tilespmem:s22], [sflag:$0x3], $0x80, s25, s23, $0xb8;
	[tilespmem:$0x1E900] =	vst v63  }
0x89: {  	_ =	swait.ge [sflag:s21], $0x4000  }
0x8a: {  	[sflag:s21] =	ssyncset.done $0x0  }
0x8b: {  	[sflag:s21] =	ssyncadd.s32 $0xFFFFC000  }
0x8c: {  	_ =	swait.ge [sflag:s29], $0x4000  }
0x8d: {  	[sflag:s29] =	ssyncset.done $0x0  }
0x8e: {  	[sflag:s29] =	ssyncadd.s32 $0xFFFFC000  }
0x8f: {  	[spmem:s2] =	stream.indirect.scatter.add.f32 [tilespmem:s24], [sflag:$0x3], $0x80, s26, s23, $0xb8;
	[tilespmem:$0x1E900] =	vst v63  }
0x90: {  	_ =	swait.ge [sflag:s21], $0x4000  }
0x91: {  	[sflag:s21] =	ssyncset.done $0x0  }
0x92: {  	[sflag:s21] =	ssyncadd.s32 $0xFFFFC000  }
0x93: {  	[bflag:$0x0] =	sbarrier.arrive $0xFFFF  }
0x94: {  	[tilespmem:s22], [sflag:$0x3] =	stream.linear.gather [spmem:s6], $0x4000, $0x38;
	[tilespmem:$0x1E900] =	vst v63  }
0x95: {  	_ =	swait.ge [sflag:s21], $0x4000  }
0x96: {  	[sflag:s21] =	ssyncset.done $0x0  }
0x97: {  	[sflag:s21] =	ssyncadd.s32 $0xFFFFC000  }
0x98: {  	[hbm4b:s12+s3] =	stream.linear.scatter [tilespmem:s22], [sflag:$0x3], $0x4000, $0x38;
	[tilespmem:$0x1E900] =	vst v63  }
0x99: {  	_ =	swait.ge [sflag:s21], $0x4000  }
0x9a: {  	[sflag:s21] =	ssyncset.done $0x0  }
0x9b: {  	[sflag:s21] =	ssyncadd.s32 $0xFFFFC000  }
0x9c: {  	[tilespmem:s22], [sflag:$0x3] =	stream.linear.gather [spmem:s7], $0x4000, $0x38;
	[tilespmem:$0x1E900] =	vst v63  }
0x9d: {  	_ =	swait.ge [sflag:s21], $0x4000  }
0x9e: {  	[sflag:s21] =	ssyncset.done $0x0  }
0x9f: {  	[sflag:s21] =	ssyncadd.s32 $0xFFFFC000  }
0xa0: {  	[hbm4b:s13+s3] =	stream.linear.scatter [tilespmem:s22], [sflag:$0x3], $0x4000, $0x38;
	[tilespmem:$0x1E900] =	vst v63  }
0xa1: {  	_ =	swait.ge [sflag:s21], $0x4000  }
0xa2: {  	[sflag:s21] =	ssyncset.done $0x0  }
0xa3: {  	[sflag:s21] =	ssyncadd.s32 $0xFFFFC000  }
0xa4: {  	[tilespmem:s22], [sflag:$0x3] =	stream.linear.gather [spmem:s8], $0x4000, $0x38;
	[tilespmem:$0x1E900] =	vst v63  }
0xa5: {  	_ =	swait.ge [sflag:s21], $0x4000  }
0xa6: {  	[sflag:s21] =	ssyncset.done $0x0  }
0xa7: {  	[sflag:s21] =	ssyncadd.s32 $0xFFFFC000  }
0xa8: {  	[hbm4b:s14+s3] =	stream.linear.scatter [tilespmem:s22], [sflag:$0x3], $0x4000, $0x38;
	[tilespmem:$0x1E900] =	vst v63  }
0xa9: {  	_ =	swait.ge [sflag:s21], $0x4000  }
0xaa: {  	[sflag:s21] =	ssyncset.done $0x0  }
0xab: {  	[sflag:s21] =	ssyncadd.s32 $0xFFFFC000  }
0xac: {  	[tilespmem:s22], [sflag:$0x3] =	stream.linear.gather [spmem:s9], $0x4000, $0x38;
	[tilespmem:$0x1E900] =	vst v63  }
0xad: {  	_ =	swait.ge [sflag:s21], $0x4000  }
0xae: {  	[sflag:s21] =	ssyncset.done $0x0  }
0xaf: {  	[sflag:s21] =	ssyncadd.s32 $0xFFFFC000  }
0xb0: {  	[hbm4b:s15+s3] =	stream.linear.scatter [tilespmem:s22], [sflag:$0x3], $0x4000, $0x38;
	[tilespmem:$0x1E900] =	vst v63  }
0xb1: {  	_ =	swait.ge [sflag:s21], $0x4000  }
0xb2: {  	[sflag:s21] =	ssyncset.done $0x0  }
0xb3: {  	[sflag:s21] =	ssyncadd.s32 $0xFFFFC000  }
0xb4: {  	[tilespmem:s22], [sflag:$0x3] =	stream.linear.gather [spmem:s10], $0x4000, $0x38;
	[tilespmem:$0x1E900] =	vst v63  }
0xb5: {  	s30 =	sadd.s32 $0x1, s30;
	_ =	swait.ge [sflag:s21], $0x4000  }
0xb6: {  	p0 =	sne.s32 s30, s17;
	[sflag:s21] =	ssyncset.done $0x0  }
.Ltmp2:
0xb7: {  	[sflag:s21] =	ssyncadd.s32 $0xFFFFC000;
	(pc) =	sbr.rel @p0 .LBB2_1-.Ltmp2, $4  }
0xb8: {  	[hbm4b:s16+s3] =	stream.linear.scatter [tilespmem:s22], [sflag:$0x3], $0x4000, $0x38;
	[tilespmem:$0x1E900] =	vst v63  }
0xb9: {  	_ =	swait.ge [sflag:s21], $0x4000  }
0xba: {  	[sflag:s21] =	ssyncset.done $0x0  }
0xbb: {  	[sflag:s21] =	ssyncadd.s32 $0xFFFFC000  }
0xbc: {  	_ =	sfence.sel $0x180000  }
0xbd: {  	[bflag:$0x0] =	sbarrier.arrive $0xFFFF  }
0xbe: {  	_ =	strace $0x9000004A  }
0xbf: {  	s0 =	stileid.u32;
	[bflag:$0x2] =	sbarrier.arrive $0xFFFF  }
0xc0: {  	p0 =	sne.s32 s0, $0x0;
	s0 =	rddreg [dreg:$0x2]  }
0xc1: {  	s0 =	sadd.s32 @!p0 $0x100000, s0  }
0xc2: {  	[sflag:s0] =	ssyncadd.tile.s32 @!p0 $0x1;
	_ =	shalt  }
.Lfunc_end2:
_tile_overlayer_lowered:
.L_overlay_start_2:
0xc3: {  	(tag) =	ssettag $0x2  }
0xc4: {  	s0 =	rddreg [dreg:$0x0];
	s2 =	stileid.u32  }
0xc5: {  	s1 =	rddreg [dreg:$0x1];
	p0 =	sne.s32 s2, $0x0  }
0xc6: {  	s3 =	rddreg [dreg:$0x2];
	[bflag:$0x3] =	sbarrier.arrive $0xFFFF;
	s2 =	simm.s32 @!p0 $0x1C03  }
0xc7: {  	[timem:s3], [sflag:s2] =	dma.local @!p0 [hbm:s0], s1  }
0xc8: {  	s0 =	simm.s32 @!p0 $0x3  }
0xc9: {  	_ =	swait.ge @!p0 [sflag:s0], s1  }
0xca: {  	s1 =	ssub.s32 @!p0 $0x0, s1;
	[sflag:s0] =	ssyncset.done @!p0 $0x0  }
0xcb: {  	[sflag:s0] =	ssyncadd.s32 @!p0 s1  }
0xcc: {  	[bflag:$0x3] =	sbarrier.arrive $0xFFFF  }
0xcd: {  	_ =	shalt  }

</sc_bundles>
